<compile_context>
chip_gen: v7x
topology: tpu7x:2x2x1
jax: 0.10.2.dev20260603
libtpu: 0.0.44.dev20260713+nightly
codegen_flags: <defaults>
</compile_context>

<pallas_src>
import functools

import jax
import jax.numpy as jnp
from jax import lax
from jax.experimental import pallas as pl
from jax.experimental.pallas import tpu as pltpu
from jax.experimental.pallas import tpu_sc as plsc

CHUNK = 128
K = 5


@functools.lru_cache(maxsize=None)
def _build(B, V, D):
    info = plsc.get_sparse_core_info()
    NC, NS = info.num_cores, info.num_subcores
    NW = NC * NS
    assert B % (NW * CHUNK) == 0
    b_per_w = B // NW
    n_chunks = b_per_w // CHUNK
    n_groups = n_chunks // K
    assert n_chunks % K == 0 and n_groups >= 2
    mesh = plsc.VectorSubcoreMesh(core_axis_name="c", subcore_axis_name="s")

    @functools.partial(
        pl.kernel,
        mesh=mesh,
        out_type=jax.ShapeDtypeStruct((B, D), jnp.float32),
        compiler_params=pltpu.CompilerParams(use_tc_tiling_on_sc=False),
        scratch_types=[
            pltpu.VMEM((n_chunks, CHUNK), jnp.int32),
            pltpu.VMEM((2, K, CHUNK, D), jnp.float32),
            pltpu.SemaphoreType.DMA,
            pltpu.SemaphoreType.DMA,
            pltpu.SemaphoreType.DMA,
            pltpu.SemaphoreType.DMA,
        ],
    )
    def k(idx_hbm, table_hbm, out_hbm, idx_v, bufs, sg0, sg1, sw0, sw1):
        wid = lax.axis_index("s") * NC + lax.axis_index("c")
        base = wid * b_per_w
        pltpu.sync_copy(idx_hbm.at[wid], idx_v)
        sems_g = (sg0, sg1)
        sems_w = (sw0, sw1)

        def fire_gathers(g, s):
            for b in range(K):
                pltpu.async_copy(
                    table_hbm.at[idx_v.at[g * K + b]], bufs.at[s].at[b], sems_g[s]
                )

        def drain_gathers(g, s):
            for b in range(K):
                pltpu.make_async_copy(
                    table_hbm.at[idx_v.at[g * K + b]], bufs.at[s].at[b], sems_g[s]
                ).wait()

        def fire_writes(g, s):
            for b in range(K):
                pltpu.async_copy(
                    bufs.at[s].at[b],
                    out_hbm.at[pl.ds(base + (g * K + b) * CHUNK, CHUNK)],
                    sems_w[s],
                )

        def drain_writes(g, s):
            for b in range(K):
                pltpu.make_async_copy(
                    bufs.at[s].at[b],
                    out_hbm.at[pl.ds(base + (g * K + b) * CHUNK, CHUNK)],
                    sems_w[s],
                ).wait()

        fire_gathers(0, 0)

        def step(g, carry):
            ga = 2 * g
            gb = 2 * g + 1

            @pl.when(g > 0)
            def _():
                drain_writes(ga - 1, 1)

            fire_gathers(gb, 1)
            drain_gathers(ga, 0)
            fire_writes(ga, 0)

            @pl.when(gb + 1 < n_groups)
            def _():
                drain_writes(ga, 0)
                fire_gathers(gb + 1, 0)

            drain_gathers(gb, 1)
            fire_writes(gb, 1)
            return carry

        lax.fori_loop(0, n_groups // 2, step, 0)

        if n_groups % 2:
            t = n_groups - 1
            drain_gathers(t, 0)
            fire_writes(t, 0)
            drain_writes(t - 1, 1)
            drain_writes(t, 0)
        else:
            drain_writes(n_groups - 2, 0)
            drain_writes(n_groups - 1, 1)

    return k


def kernel(idx, table):
    bsz, slen = idx.shape
    V, D = table.shape
    B = bsz * slen
    info = plsc.get_sparse_core_info()
    nw = info.num_cores * info.num_subcores
    idx3d = idx.reshape(nw, B // (nw * CHUNK), CHUNK)
    out = _build(B, V, D)(idx3d, table)
    return out.reshape(bsz, slen, D)

# --- scband reference (transcript-rebuilt; emitter-appended) ---
"""Pipeline reference for scband-large-embedding-36189394436923 (READ-ONLY COPY).

The authoritative reference and input builder live on the scoring server;
editing this copy changes nothing except your own understanding.
"""

import jax, jax.numpy as jnp
import numpy as np

NUM_EMB = 100000
EMB_DIM = 64
BSZ = 4096
SLEN = 50

def setup_inputs(seed: int = 0) -> dict:
    key = jax.random.key(seed)
    k1, k2 = jax.random.split(key)
    idx = jax.random.randint(k1, (BSZ, SLEN), 0, NUM_EMB, dtype=jnp.int64 if jax.config.jax_enable_x64 else jnp.int32).astype(jnp.int32)
    table = jax.random.normal(k2, (NUM_EMB, EMB_DIM), dtype=jnp.float32) * 0.02
    return {"idx": idx, "table": table}

def reference(idx, table):
    # Faithful translation of LargeEmbedding.forward:
    # 1) unique over the flat index batch (the KV-store pull dedup)
    # 2) gather unique rows from the (server-side) table
    # 3) remap original indices into the unique buffer and embed
    bsz, slen = idx.shape
    flat = idx.reshape(-1)
    n = flat.shape[0]
    # pad with NUM_EMB (> any valid id) so the padded unique array stays sorted
    unique_idx = jnp.unique(flat, size=n, fill_value=NUM_EMB)
    unique_emb = jnp.take(table, unique_idx, axis=0, mode='clip')  # client.pull
    # idx_mapping: position of each original id within unique_idx (sorted)
    mapped_idx = jnp.searchsorted(unique_idx, flat).reshape(bsz, slen)
    emb = jnp.take(unique_emb, mapped_idx, axis=0)  # torch.embedding(gpu_emb, mapped_idx)
    return emb

if __name__ == "__main__":
    import jax
    _d = setup_inputs()
    print(jax.jit(kernel)(*tuple(_d.values())))

</pallas_src>

<mosaic_0001>
#map = affine_map<(d0, d1) -> (0, 0, 0)>
#map1 = affine_map<(d0, d1) -> (0, 0)>
module attributes {stable_mosaic.version = 14 : i64} {
  func.func @k(%arg0: i32, %arg1: i32, %arg2: memref<32x50x128xi32, #tpu.memory_space<hbm>>, %arg3: memref<100000x64xf32, #tpu.memory_space<hbm>>, %arg4: memref<204800x64xf32, #tpu.memory_space<hbm>>, %arg5: memref<50x128xi32, #tpu.memory_space<vmem>>, %arg6: memref<2x5x128x64xf32, #tpu.memory_space<vmem>>, %arg7: memref<!tpu.dma_semaphore, #tpu.memory_space<semaphore_mem>>, %arg8: memref<!tpu.dma_semaphore, #tpu.memory_space<semaphore_mem>>, %arg9: memref<!tpu.dma_semaphore, #tpu.memory_space<semaphore_mem>>, %arg10: memref<!tpu.dma_semaphore, #tpu.memory_space<semaphore_mem>>) attributes {dimension_semantics = [#tpu.dimension_semantics<core_parallel>, #tpu.dimension_semantics<subcore_parallel>], iteration_bounds = array<i64: 2, 16>, scalar_prefetch = 0 : i64, scratch_operands = 6 : i64, tpu.core_type = #tpu.core_type<sc_vector_subcore>, window_params = [{transform_indices = #map}, {transform_indices = #map1}, {transform_indices = #map1}]} {
    %mul3A = arith.constant 2 : i32
    %mul3A_0 = arith.muli %arg1, %mul3A : i32
    %add3A = arith.addi %mul3A_0, %arg0 : i32
    %mul3A_1 = arith.constant 6400 : i32
    %mul3A_2 = arith.muli %add3A, %mul3A_1 : i32
    "tpu.region"() ({
      %run_scoped3A = tpu.sem_alloc : memref<!tpu.dma_semaphore, #tpu.memory_space<semaphore_mem>>
      %dma_start3A_356 = arith.constant 0 : i32
      %dma_start3A_357 = arith.constant 0 : i32
      %dma_start3A_358 = tpu.memref_slice %arg2[%add3A, %dma_start3A_356, %dma_start3A_357] : memref<32x50x128xi32, #tpu.memory_space<hbm>> -> memref<1x50x128xi32, #tpu.memory_space<hbm>>
      %dma_start3A_359 = tpu.memref_squeeze %dma_start3A_358 : memref<1x50x128xi32, #tpu.memory_space<hbm>> -> memref<50x128xi32, #tpu.memory_space<hbm>>
      %dma_start3A_360 = arith.constant 0 : i32
      %dma_start3A_361 = arith.constant 0 : i32
      %dma_start3A_362 = tpu.memref_slice %arg2[%add3A, %dma_start3A_360, %dma_start3A_361] : memref<32x50x128xi32, #tpu.memory_space<hbm>> -> memref<1x50x128xi32, #tpu.memory_space<hbm>>
      %dma_start3A_363 = tpu.memref_squeeze %dma_start3A_362 : memref<1x50x128xi32, #tpu.memory_space<hbm>> -> memref<50x128xi32, #tpu.memory_space<hbm>>
      tpu.enqueue_dma source(%dma_start3A_363 : memref<50x128xi32, #tpu.memory_space<hbm>>) target(%arg5 : memref<50x128xi32, #tpu.memory_space<vmem>>) target_semaphore(%run_scoped3A : memref<!tpu.dma_semaphore, #tpu.memory_space<semaphore_mem>>)
      %dma_wait3A_364 = arith.constant 0 : i32
      %dma_wait3A_365 = arith.constant 0 : i32
      %dma_wait3A_366 = tpu.memref_slice %arg2[%add3A, %dma_wait3A_364, %dma_wait3A_365] : memref<32x50x128xi32, #tpu.memory_space<hbm>> -> memref<1x50x128xi32, #tpu.memory_space<hbm>>
      %dma_wait3A_367 = tpu.memref_squeeze %dma_wait3A_366 : memref<1x50x128xi32, #tpu.memory_space<hbm>> -> memref<50x128xi32, #tpu.memory_space<hbm>>
      %dma_wait3A_368 = arith.constant 0 : i32
      %dma_wait3A_369 = arith.constant 0 : i32
      %dma_wait3A_370 = tpu.memref_slice %arg2[%add3A, %dma_wait3A_368, %dma_wait3A_369] : memref<32x50x128xi32, #tpu.memory_space<hbm>> -> memref<1x50x128xi32, #tpu.memory_space<hbm>>
      %dma_wait3A_371 = tpu.memref_squeeze %dma_wait3A_370 : memref<1x50x128xi32, #tpu.memory_space<hbm>> -> memref<50x128xi32, #tpu.memory_space<hbm>>
      tpu.wait_dma2 semaphore(%run_scoped3A : memref<!tpu.dma_semaphore, #tpu.memory_space<semaphore_mem>>) src(%dma_wait3A_371 : memref<50x128xi32, #tpu.memory_space<hbm>>) dst(%arg5 : memref<50x128xi32, #tpu.memory_space<vmem>>)
      tpu.yield
    }) : () -> ()
    %dma_start3A = arith.constant 0 : i32
    %dma_start3A_3 = arith.constant 0 : i32
    %dma_start3A_4 = arith.constant 0 : i32
    %dma_start3A_5 = arith.constant 0 : i32
    %dma_start3A_6 = arith.constant 0 : i32
    %dma_start3A_7 = arith.constant 0 : i32
    %dma_start3A_8 = tpu.memref_slice %arg6[%dma_start3A_3, %dma_start3A_5, %dma_start3A_6, %dma_start3A_7] : memref<2x5x128x64xf32, #tpu.memory_space<vmem>> -> memref<1x5x128x64xf32, #tpu.memory_space<vmem>>
    %dma_start3A_9 = tpu.memref_squeeze %dma_start3A_8 : memref<1x5x128x64xf32, #tpu.memory_space<vmem>> -> memref<5x128x64xf32, #tpu.memory_space<vmem>>
    %dma_start3A_10 = arith.constant 0 : i32
    %dma_start3A_11 = arith.constant 0 : i32
    %dma_start3A_12 = tpu.memref_slice %dma_start3A_9[%dma_start3A_4, %dma_start3A_10, %dma_start3A_11] : memref<5x128x64xf32, #tpu.memory_space<vmem>> -> memref<1x128x64xf32, #tpu.memory_space<vmem>>
    %dma_start3A_13 = tpu.memref_squeeze %dma_start3A_12 : memref<1x128x64xf32, #tpu.memory_space<vmem>> -> memref<128x64xf32, #tpu.memory_space<vmem>>
    %dma_start3A_14 = arith.constant 0 : i32
    %dma_start3A_15 = tpu.memref_slice %arg5[%dma_start3A, %dma_start3A_14] : memref<50x128xi32, #tpu.memory_space<vmem>> -> memref<1x128xi32, #tpu.memory_space<vmem>>
    %dma_start3A_16 = tpu.memref_squeeze %dma_start3A_15 : memref<1x128xi32, #tpu.memory_space<vmem>> -> memref<128xi32, #tpu.memory_space<vmem>>
    %dma_start3A_17 = arith.constant 0 : i32
    %dma_start3A_18 = arith.constant 0 : i32
    %dma_start3A_19 = tpu.memref_slice %arg3[%dma_start3A_17, %dma_start3A_18] : memref<100000x64xf32, #tpu.memory_space<hbm>> -> memref<100000x64xf32, #tpu.memory_space<hbm>>
    tpu.enqueue_indirect_dma source(%dma_start3A_19 : memref<100000x64xf32, #tpu.memory_space<hbm>>) target(%dma_start3A_13 : memref<128x64xf32, #tpu.memory_space<vmem>>) offsets(%dma_start3A_16 : memref<128xi32, #tpu.memory_space<vmem>>) semaphore(%arg7 : memref<!tpu.dma_semaphore, #tpu.memory_space<semaphore_mem>>)
    %dma_start3A_20 = arith.constant 1 : i32
    %dma_start3A_21 = arith.constant 0 : i32
    %dma_start3A_22 = arith.constant 1 : i32
    %dma_start3A_23 = arith.constant 0 : i32
    %dma_start3A_24 = arith.constant 0 : i32
    %dma_start3A_25 = arith.constant 0 : i32
    %dma_start3A_26 = tpu.memref_slice %arg6[%dma_start3A_21, %dma_start3A_23, %dma_start3A_24, %dma_start3A_25] : memref<2x5x128x64xf32, #tpu.memory_space<vmem>> -> memref<1x5x128x64xf32, #tpu.memory_space<vmem>>
    %dma_start3A_27 = tpu.memref_squeeze %dma_start3A_26 : memref<1x5x128x64xf32, #tpu.memory_space<vmem>> -> memref<5x128x64xf32, #tpu.memory_space<vmem>>
    %dma_start3A_28 = arith.constant 0 : i32
    %dma_start3A_29 = arith.constant 0 : i32
    %dma_start3A_30 = tpu.memref_slice %dma_start3A_27[%dma_start3A_22, %dma_start3A_28, %dma_start3A_29] : memref<5x128x64xf32, #tpu.memory_space<vmem>> -> memref<1x128x64xf32, #tpu.memory_space<vmem>>
    %dma_start3A_31 = tpu.memref_squeeze %dma_start3A_30 : memref<1x128x64xf32, #tpu.memory_space<vmem>> -> memref<128x64xf32, #tpu.memory_space<vmem>>
    %dma_start3A_32 = arith.constant 0 : i32
    %dma_start3A_33 = tpu.memref_slice %arg5[%dma_start3A_20, %dma_start3A_32] : memref<50x128xi32, #tpu.memory_space<vmem>> -> memref<1x128xi32, #tpu.memory_space<vmem>>
    %dma_start3A_34 = tpu.memref_squeeze %dma_start3A_33 : memref<1x128xi32, #tpu.memory_space<vmem>> -> memref<128xi32, #tpu.memory_space<vmem>>
    %dma_start3A_35 = arith.constant 0 : i32
    %dma_start3A_36 = arith.constant 0 : i32
    %dma_start3A_37 = tpu.memref_slice %arg3[%dma_start3A_35, %dma_start3A_36] : memref<100000x64xf32, #tpu.memory_space<hbm>> -> memref<100000x64xf32, #tpu.memory_space<hbm>>
    tpu.enqueue_indirect_dma source(%dma_start3A_37 : memref<100000x64xf32, #tpu.memory_space<hbm>>) target(%dma_start3A_31 : memref<128x64xf32, #tpu.memory_space<vmem>>) offsets(%dma_start3A_34 : memref<128xi32, #tpu.memory_space<vmem>>) semaphore(%arg7 : memref<!tpu.dma_semaphore, #tpu.memory_space<semaphore_mem>>)
    %dma_start3A_38 = arith.constant 2 : i32
    %dma_start3A_39 = arith.constant 0 : i32
    %dma_start3A_40 = arith.constant 2 : i32
    %dma_start3A_41 = arith.constant 0 : i32
    %dma_start3A_42 = arith.constant 0 : i32
    %dma_start3A_43 = arith.constant 0 : i32
    %dma_start3A_44 = tpu.memref_slice %arg6[%dma_start3A_39, %dma_start3A_41, %dma_start3A_42, %dma_start3A_43] : memref<2x5x128x64xf32, #tpu.memory_space<vmem>> -> memref<1x5x128x64xf32, #tpu.memory_space<vmem>>
    %dma_start3A_45 = tpu.memref_squeeze %dma_start3A_44 : memref<1x5x128x64xf32, #tpu.memory_space<vmem>> -> memref<5x128x64xf32, #tpu.memory_space<vmem>>
    %dma_start3A_46 = arith.constant 0 : i32
    %dma_start3A_47 = arith.constant 0 : i32
    %dma_start3A_48 = tpu.memref_slice %dma_start3A_45[%dma_start3A_40, %dma_start3A_46, %dma_start3A_47] : memref<5x128x64xf32, #tpu.memory_space<vmem>> -> memref<1x128x64xf32, #tpu.memory_space<vmem>>
    %dma_start3A_49 = tpu.memref_squeeze %dma_start3A_48 : memref<1x128x64xf32, #tpu.memory_space<vmem>> -> memref<128x64xf32, #tpu.memory_space<vmem>>
    %dma_start3A_50 = arith.constant 0 : i32
    %dma_start3A_51 = tpu.memref_slice %arg5[%dma_start3A_38, %dma_start3A_50] : memref<50x128xi32, #tpu.memory_space<vmem>> -> memref<1x128xi32, #tpu.memory_space<vmem>>
    %dma_start3A_52 = tpu.memref_squeeze %dma_start3A_51 : memref<1x128xi32, #tpu.memory_space<vmem>> -> memref<128xi32, #tpu.memory_space<vmem>>
    %dma_start3A_53 = arith.constant 0 : i32
    %dma_start3A_54 = arith.constant 0 : i32
    %dma_start3A_55 = tpu.memref_slice %arg3[%dma_start3A_53, %dma_start3A_54] : memref<100000x64xf32, #tpu.memory_space<hbm>> -> memref<100000x64xf32, #tpu.memory_space<hbm>>
    tpu.enqueue_indirect_dma source(%dma_start3A_55 : memref<100000x64xf32, #tpu.memory_space<hbm>>) target(%dma_start3A_49 : memref<128x64xf32, #tpu.memory_space<vmem>>) offsets(%dma_start3A_52 : memref<128xi32, #tpu.memory_space<vmem>>) semaphore(%arg7 : memref<!tpu.dma_semaphore, #tpu.memory_space<semaphore_mem>>)
    %dma_start3A_56 = arith.constant 3 : i32
    %dma_start3A_57 = arith.constant 0 : i32
    %dma_start3A_58 = arith.constant 3 : i32
    %dma_start3A_59 = arith.constant 0 : i32
    %dma_start3A_60 = arith.constant 0 : i32
    %dma_start3A_61 = arith.constant 0 : i32
    %dma_start3A_62 = tpu.memref_slice %arg6[%dma_start3A_57, %dma_start3A_59, %dma_start3A_60, %dma_start3A_61] : memref<2x5x128x64xf32, #tpu.memory_space<vmem>> -> memref<1x5x128x64xf32, #tpu.memory_space<vmem>>
    %dma_start3A_63 = tpu.memref_squeeze %dma_start3A_62 : memref<1x5x128x64xf32, #tpu.memory_space<vmem>> -> memref<5x128x64xf32, #tpu.memory_space<vmem>>
    %dma_start3A_64 = arith.constant 0 : i32
    %dma_start3A_65 = arith.constant 0 : i32
    %dma_start3A_66 = tpu.memref_slice %dma_start3A_63[%dma_start3A_58, %dma_start3A_64, %dma_start3A_65] : memref<5x128x64xf32, #tpu.memory_space<vmem>> -> memref<1x128x64xf32, #tpu.memory_space<vmem>>
    %dma_start3A_67 = tpu.memref_squeeze %dma_start3A_66 : memref<1x128x64xf32, #tpu.memory_space<vmem>> -> memref<128x64xf32, #tpu.memory_space<vmem>>
    %dma_start3A_68 = arith.constant 0 : i32
    %dma_start3A_69 = tpu.memref_slice %arg5[%dma_start3A_56, %dma_start3A_68] : memref<50x128xi32, #tpu.memory_space<vmem>> -> memref<1x128xi32, #tpu.memory_space<vmem>>
    %dma_start3A_70 = tpu.memref_squeeze %dma_start3A_69 : memref<1x128xi32, #tpu.memory_space<vmem>> -> memref<128xi32, #tpu.memory_space<vmem>>
    %dma_start3A_71 = arith.constant 0 : i32
    %dma_start3A_72 = arith.constant 0 : i32
    %dma_start3A_73 = tpu.memref_slice %arg3[%dma_start3A_71, %dma_start3A_72] : memref<100000x64xf32, #tpu.memory_space<hbm>> -> memref<100000x64xf32, #tpu.memory_space<hbm>>
    tpu.enqueue_indirect_dma source(%dma_start3A_73 : memref<100000x64xf32, #tpu.memory_space<hbm>>) target(%dma_start3A_67 : memref<128x64xf32, #tpu.memory_space<vmem>>) offsets(%dma_start3A_70 : memref<128xi32, #tpu.memory_space<vmem>>) semaphore(%arg7 : memref<!tpu.dma_semaphore, #tpu.memory_space<semaphore_mem>>)
    %dma_start3A_74 = arith.constant 4 : i32
    %dma_start3A_75 = arith.constant 0 : i32
    %dma_start3A_76 = arith.constant 4 : i32
    %dma_start3A_77 = arith.constant 0 : i32
    %dma_start3A_78 = arith.constant 0 : i32
    %dma_start3A_79 = arith.constant 0 : i32
    %dma_start3A_80 = tpu.memref_slice %arg6[%dma_start3A_75, %dma_start3A_77, %dma_start3A_78, %dma_start3A_79] : memref<2x5x128x64xf32, #tpu.memory_space<vmem>> -> memref<1x5x128x64xf32, #tpu.memory_space<vmem>>
    %dma_start3A_81 = tpu.memref_squeeze %dma_start3A_80 : memref<1x5x128x64xf32, #tpu.memory_space<vmem>> -> memref<5x128x64xf32, #tpu.memory_space<vmem>>
    %dma_start3A_82 = arith.constant 0 : i32
    %dma_start3A_83 = arith.constant 0 : i32
    %dma_start3A_84 = tpu.memref_slice %dma_start3A_81[%dma_start3A_76, %dma_start3A_82, %dma_start3A_83] : memref<5x128x64xf32, #tpu.memory_space<vmem>> -> memref<1x128x64xf32, #tpu.memory_space<vmem>>
    %dma_start3A_85 = tpu.memref_squeeze %dma_start3A_84 : memref<1x128x64xf32, #tpu.memory_space<vmem>> -> memref<128x64xf32, #tpu.memory_space<vmem>>
    %dma_start3A_86 = arith.constant 0 : i32
    %dma_start3A_87 = tpu.memref_slice %arg5[%dma_start3A_74, %dma_start3A_86] : memref<50x128xi32, #tpu.memory_space<vmem>> -> memref<1x128xi32, #tpu.memory_space<vmem>>
    %dma_start3A_88 = tpu.memref_squeeze %dma_start3A_87 : memref<1x128xi32, #tpu.memory_space<vmem>> -> memref<128xi32, #tpu.memory_space<vmem>>
    %dma_start3A_89 = arith.constant 0 : i32
    %dma_start3A_90 = arith.constant 0 : i32
    %dma_start3A_91 = tpu.memref_slice %arg3[%dma_start3A_89, %dma_start3A_90] : memref<100000x64xf32, #tpu.memory_space<hbm>> -> memref<100000x64xf32, #tpu.memory_space<hbm>>
    tpu.enqueue_indirect_dma source(%dma_start3A_91 : memref<100000x64xf32, #tpu.memory_space<hbm>>) target(%dma_start3A_85 : memref<128x64xf32, #tpu.memory_space<vmem>>) offsets(%dma_start3A_88 : memref<128xi32, #tpu.memory_space<vmem>>) semaphore(%arg7 : memref<!tpu.dma_semaphore, #tpu.memory_space<semaphore_mem>>)
    %scan3A = arith.constant 0 : i32
    %scan3A_92 = arith.constant 0 : i32
    %scan3A_93 = arith.constant 5 : i32
    %scan3A_94 = arith.addi %scan3A_92, %scan3A_93 : i32
    %scan3A_95 = arith.constant 1 : i32
    scf.for %scan3A_356 = %scan3A_92 to %scan3A_94 step %scan3A_95  : i32 {
      %mul3A_357 = arith.constant 2 : i32
      %mul3A_358 = arith.muli %mul3A_357, %scan3A_356 : i32
      %mul3A_359 = arith.constant 2 : i32
      %mul3A_360 = arith.muli %mul3A_359, %scan3A_356 : i32
      %add3A_361 = arith.constant 1 : i32
      %add3A_362 = arith.addi %mul3A_360, %add3A_361 : i32
      %gt3A = arith.constant 0 : i32
      %gt3A_363 = arith.cmpi sgt, %scan3A_356, %gt3A : i32
      %convert_element_type3A = arith.extui %gt3A_363 : i1 to i32
      %cond3A = arith.constant 0 : i32
      %cond3A_364 = arith.cmpi ne, %convert_element_type3A, %cond3A : i32
      scf.if %cond3A_364 {
        %sub3A = arith.constant 1 : i32
        %sub3A_996 = arith.subi %mul3A_358, %sub3A : i32
        %mul3A_997 = arith.constant 5 : i32
        %mul3A_998 = arith.muli %sub3A_996, %mul3A_997 : i32
        %add3A_999 = arith.constant 0 : i32
        %add3A_1000 = arith.addi %mul3A_998, %add3A_999 : i32
        %mul3A_1001 = arith.constant 128 : i32
        %mul3A_1002 = arith.muli %add3A_1000, %mul3A_1001 : i32
        %add3A_1003 = arith.addi %mul3A_2, %mul3A_1002 : i32
        %dma_wait3A_1004 = arith.constant 1 : i32
        %dma_wait3A_1005 = arith.constant 0 : i32
        %dma_wait3A_1006 = arith.constant 0 : i32
        %dma_wait3A_1007 = arith.constant 0 : i32
        %dma_wait3A_1008 = arith.constant 0 : i32
        %dma_wait3A_1009 = tpu.memref_slice %arg6[%dma_wait3A_1004, %dma_wait3A_1006, %dma_wait3A_1007, %dma_wait3A_1008] : memref<2x5x128x64xf32, #tpu.memory_space<vmem>> -> memref<1x5x128x64xf32, #tpu.memory_space<vmem>>
        %dma_wait3A_1010 = tpu.memref_squeeze %dma_wait3A_1009 : memref<1x5x128x64xf32, #tpu.memory_space<vmem>> -> memref<5x128x64xf32, #tpu.memory_space<vmem>>
        %dma_wait3A_1011 = arith.constant 0 : i32
        %dma_wait3A_1012 = arith.constant 0 : i32
        %dma_wait3A_1013 = tpu.memref_slice %dma_wait3A_1010[%dma_wait3A_1005, %dma_wait3A_1011, %dma_wait3A_1012] : memref<5x128x64xf32, #tpu.memory_space<vmem>> -> memref<1x128x64xf32, #tpu.memory_space<vmem>>
        %dma_wait3A_1014 = tpu.memref_squeeze %dma_wait3A_1013 : memref<1x128x64xf32, #tpu.memory_space<vmem>> -> memref<128x64xf32, #tpu.memory_space<vmem>>
        %dma_wait3A_1015 = arith.constant 0 : i32
        %dma_wait3A_1016 = tpu.memref_slice %arg4[%add3A_1003, %dma_wait3A_1015] : memref<204800x64xf32, #tpu.memory_space<hbm>> -> memref<128x64xf32, #tpu.memory_space<hbm>>
        %dma_wait3A_1017 = arith.constant 0 : i32
        %dma_wait3A_1018 = tpu.memref_slice %arg4[%add3A_1003, %dma_wait3A_1017] : memref<204800x64xf32, #tpu.memory_space<hbm>> -> memref<128x64xf32, #tpu.memory_space<hbm>>
        %dma_wait3A_1019 = arith.constant 0 : i32
        %dma_wait3A_1020 = arith.constant 0 : i32
        %dma_wait3A_1021 = arith.constant 0 : i32
        %dma_wait3A_1022 = tpu.memref_slice %arg6[%dma_wait3A_1004, %dma_wait3A_1019, %dma_wait3A_1020, %dma_wait3A_1021] : memref<2x5x128x64xf32, #tpu.memory_space<vmem>> -> memref<1x5x128x64xf32, #tpu.memory_space<vmem>>
        %dma_wait3A_1023 = tpu.memref_squeeze %dma_wait3A_1022 : memref<1x5x128x64xf32, #tpu.memory_space<vmem>> -> memref<5x128x64xf32, #tpu.memory_space<vmem>>
        %dma_wait3A_1024 = arith.constant 0 : i32
        %dma_wait3A_1025 = arith.constant 0 : i32
        %dma_wait3A_1026 = tpu.memref_slice %dma_wait3A_1023[%dma_wait3A_1005, %dma_wait3A_1024, %dma_wait3A_1025] : memref<5x128x64xf32, #tpu.memory_space<vmem>> -> memref<1x128x64xf32, #tpu.memory_space<vmem>>
        %dma_wait3A_1027 = tpu.memref_squeeze %dma_wait3A_1026 : memref<1x128x64xf32, #tpu.memory_space<vmem>> -> memref<128x64xf32, #tpu.memory_space<vmem>>
        tpu.wait_dma2 semaphore(%arg10 : memref<!tpu.dma_semaphore, #tpu.memory_space<semaphore_mem>>) src(%dma_wait3A_1027 : memref<128x64xf32, #tpu.memory_space<vmem>>) dst(%dma_wait3A_1018 : memref<128x64xf32, #tpu.memory_space<hbm>>)
        %mul3A_1028 = arith.constant 5 : i32
        %mul3A_1029 = arith.muli %sub3A_996, %mul3A_1028 : i32
        %add3A_1030 = arith.constant 1 : i32
        %add3A_1031 = arith.addi %mul3A_1029, %add3A_1030 : i32
        %mul3A_1032 = arith.constant 128 : i32
        %mul3A_1033 = arith.muli %add3A_1031, %mul3A_1032 : i32
        %add3A_1034 = arith.addi %mul3A_2, %mul3A_1033 : i32
        %dma_wait3A_1035 = arith.constant 1 : i32
        %dma_wait3A_1036 = arith.constant 1 : i32
        %dma_wait3A_1037 = arith.constant 0 : i32
        %dma_wait3A_1038 = arith.constant 0 : i32
        %dma_wait3A_1039 = arith.constant 0 : i32
        %dma_wait3A_1040 = tpu.memref_slice %arg6[%dma_wait3A_1035, %dma_wait3A_1037, %dma_wait3A_1038, %dma_wait3A_1039] : memref<2x5x128x64xf32, #tpu.memory_space<vmem>> -> memref<1x5x128x64xf32, #tpu.memory_space<vmem>>
        %dma_wait3A_1041 = tpu.memref_squeeze %dma_wait3A_1040 : memref<1x5x128x64xf32, #tpu.memory_space<vmem>> -> memref<5x128x64xf32, #tpu.memory_space<vmem>>
        %dma_wait3A_1042 = arith.constant 0 : i32
        %dma_wait3A_1043 = arith.constant 0 : i32
        %dma_wait3A_1044 = tpu.memref_slice %dma_wait3A_1041[%dma_wait3A_1036, %dma_wait3A_1042, %dma_wait3A_1043] : memref<5x128x64xf32, #tpu.memory_space<vmem>> -> memref<1x128x64xf32, #tpu.memory_space<vmem>>
        %dma_wait3A_1045 = tpu.memref_squeeze %dma_wait3A_1044 : memref<1x128x64xf32, #tpu.memory_space<vmem>> -> memref<128x64xf32, #tpu.memory_space<vmem>>
        %dma_wait3A_1046 = arith.constant 0 : i32
        %dma_wait3A_1047 = tpu.memref_slice %arg4[%add3A_1034, %dma_wait3A_1046] : memref<204800x64xf32, #tpu.memory_space<hbm>> -> memref<128x64xf32, #tpu.memory_space<hbm>>
        %dma_wait3A_1048 = arith.constant 0 : i32
        %dma_wait3A_1049 = tpu.memref_slice %arg4[%add3A_1034, %dma_wait3A_1048] : memref<204800x64xf32, #tpu.memory_space<hbm>> -> memref<128x64xf32, #tpu.memory_space<hbm>>
        %dma_wait3A_1050 = arith.constant 0 : i32
        %dma_wait3A_1051 = arith.constant 0 : i32
        %dma_wait3A_1052 = arith.constant 0 : i32
        %dma_wait3A_1053 = tpu.memref_slice %arg6[%dma_wait3A_1035, %dma_wait3A_1050, %dma_wait3A_1051, %dma_wait3A_1052] : memref<2x5x128x64xf32, #tpu.memory_space<vmem>> -> memref<1x5x128x64xf32, #tpu.memory_space<vmem>>
        %dma_wait3A_1054 = tpu.memref_squeeze %dma_wait3A_1053 : memref<1x5x128x64xf32, #tpu.memory_space<vmem>> -> memref<5x128x64xf32, #tpu.memory_space<vmem>>
        %dma_wait3A_1055 = arith.constant 0 : i32
        %dma_wait3A_1056 = arith.constant 0 : i32
        %dma_wait3A_1057 = tpu.memref_slice %dma_wait3A_1054[%dma_wait3A_1036, %dma_wait3A_1055, %dma_wait3A_1056] : memref<5x128x64xf32, #tpu.memory_space<vmem>> -> memref<1x128x64xf32, #tpu.memory_space<vmem>>
        %dma_wait3A_1058 = tpu.memref_squeeze %dma_wait3A_1057 : memref<1x128x64xf32, #tpu.memory_space<vmem>> -> memref<128x64xf32, #tpu.memory_space<vmem>>
        tpu.wait_dma2 semaphore(%arg10 : memref<!tpu.dma_semaphore, #tpu.memory_space<semaphore_mem>>) src(%dma_wait3A_1058 : memref<128x64xf32, #tpu.memory_space<vmem>>) dst(%dma_wait3A_1049 : memref<128x64xf32, #tpu.memory_space<hbm>>)
        %mul3A_1059 = arith.constant 5 : i32
        %mul3A_1060 = arith.muli %sub3A_996, %mul3A_1059 : i32
        %add3A_1061 = arith.constant 2 : i32
        %add3A_1062 = arith.addi %mul3A_1060, %add3A_1061 : i32
        %mul3A_1063 = arith.constant 128 : i32
        %mul3A_1064 = arith.muli %add3A_1062, %mul3A_1063 : i32
        %add3A_1065 = arith.addi %mul3A_2, %mul3A_1064 : i32
        %dma_wait3A_1066 = arith.constant 1 : i32
        %dma_wait3A_1067 = arith.constant 2 : i32
        %dma_wait3A_1068 = arith.constant 0 : i32
        %dma_wait3A_1069 = arith.constant 0 : i32
        %dma_wait3A_1070 = arith.constant 0 : i32
        %dma_wait3A_1071 = tpu.memref_slice %arg6[%dma_wait3A_1066, %dma_wait3A_1068, %dma_wait3A_1069, %dma_wait3A_1070] : memref<2x5x128x64xf32, #tpu.memory_space<vmem>> -> memref<1x5x128x64xf32, #tpu.memory_space<vmem>>
        %dma_wait3A_1072 = tpu.memref_squeeze %dma_wait3A_1071 : memref<1x5x128x64xf32, #tpu.memory_space<vmem>> -> memref<5x128x64xf32, #tpu.memory_space<vmem>>
        %dma_wait3A_1073 = arith.constant 0 : i32
        %dma_wait3A_1074 = arith.constant 0 : i32
        %dma_wait3A_1075 = tpu.memref_slice %dma_wait3A_1072[%dma_wait3A_1067, %dma_wait3A_1073, %dma_wait3A_1074] : memref<5x128x64xf32, #tpu.memory_space<vmem>> -> memref<1x128x64xf32, #tpu.memory_space<vmem>>
        %dma_wait3A_1076 = tpu.memref_squeeze %dma_wait3A_1075 : memref<1x128x64xf32, #tpu.memory_space<vmem>> -> memref<128x64xf32, #tpu.memory_space<vmem>>
        %dma_wait3A_1077 = arith.constant 0 : i32
        %dma_wait3A_1078 = tpu.memref_slice %arg4[%add3A_1065, %dma_wait3A_1077] : memref<204800x64xf32, #tpu.memory_space<hbm>> -> memref<128x64xf32, #tpu.memory_space<hbm>>
        %dma_wait3A_1079 = arith.constant 0 : i32
        %dma_wait3A_1080 = tpu.memref_slice %arg4[%add3A_1065, %dma_wait3A_1079] : memref<204800x64xf32, #tpu.memory_space<hbm>> -> memref<128x64xf32, #tpu.memory_space<hbm>>
        %dma_wait3A_1081 = arith.constant 0 : i32
        %dma_wait3A_1082 = arith.constant 0 : i32
        %dma_wait3A_1083 = arith.constant 0 : i32
        %dma_wait3A_1084 = tpu.memref_slice %arg6[%dma_wait3A_1066, %dma_wait3A_1081, %dma_wait3A_1082, %dma_wait3A_1083] : memref<2x5x128x64xf32, #tpu.memory_space<vmem>> -> memref<1x5x128x64xf32, #tpu.memory_space<vmem>>
        %dma_wait3A_1085 = tpu.memref_squeeze %dma_wait3A_1084 : memref<1x5x128x64xf32, #tpu.memory_space<vmem>> -> memref<5x128x64xf32, #tpu.memory_space<vmem>>
        %dma_wait3A_1086 = arith.constant 0 : i32
        %dma_wait3A_1087 = arith.constant 0 : i32
        %dma_wait3A_1088 = tpu.memref_slice %dma_wait3A_1085[%dma_wait3A_1067, %dma_wait3A_1086, %dma_wait3A_1087] : memref<5x128x64xf32, #tpu.memory_space<vmem>> -> memref<1x128x64xf32, #tpu.memory_space<vmem>>
        %dma_wait3A_1089 = tpu.memref_squeeze %dma_wait3A_1088 : memref<1x128x64xf32, #tpu.memory_space<vmem>> -> memref<128x64xf32, #tpu.memory_space<vmem>>
        tpu.wait_dma2 semaphore(%arg10 : memref<!tpu.dma_semaphore, #tpu.memory_space<semaphore_mem>>) src(%dma_wait3A_1089 : memref<128x64xf32, #tpu.memory_space<vmem>>) dst(%dma_wait3A_1080 : memref<128x64xf32, #tpu.memory_space<hbm>>)
        %mul3A_1090 = arith.constant 5 : i32
        %mul3A_1091 = arith.muli %sub3A_996, %mul3A_1090 : i32
        %add3A_1092 = arith.constant 3 : i32
        %add3A_1093 = arith.addi %mul3A_1091, %add3A_1092 : i32
        %mul3A_1094 = arith.constant 128 : i32
        %mul3A_1095 = arith.muli %add3A_1093, %mul3A_1094 : i32
        %add3A_1096 = arith.addi %mul3A_2, %mul3A_1095 : i32
        %dma_wait3A_1097 = arith.constant 1 : i32
        %dma_wait3A_1098 = arith.constant 3 : i32
        %dma_wait3A_1099 = arith.constant 0 : i32
        %dma_wait3A_1100 = arith.constant 0 : i32
        %dma_wait3A_1101 = arith.constant 0 : i32
        %dma_wait3A_1102 = tpu.memref_slice %arg6[%dma_wait3A_1097, %dma_wait3A_1099, %dma_wait3A_1100, %dma_wait3A_1101] : memref<2x5x128x64xf32, #tpu.memory_space<vmem>> -> memref<1x5x128x64xf32, #tpu.memory_space<vmem>>
        %dma_wait3A_1103 = tpu.memref_squeeze %dma_wait3A_1102 : memref<1x5x128x64xf32, #tpu.memory_space<vmem>> -> memref<5x128x64xf32, #tpu.memory_space<vmem>>
        %dma_wait3A_1104 = arith.constant 0 : i32
        %dma_wait3A_1105 = arith.constant 0 : i32
        %dma_wait3A_1106 = tpu.memref_slice %dma_wait3A_1103[%dma_wait3A_1098, %dma_wait3A_1104, %dma_wait3A_1105] : memref<5x128x64xf32, #tpu.memory_space<vmem>> -> memref<1x128x64xf32, #tpu.memory_space<vmem>>
        %dma_wait3A_1107 = tpu.memref_squeeze %dma_wait3A_1106 : memref<1x128x64xf32, #tpu.memory_space<vmem>> -> memref<128x64xf32, #tpu.memory_space<vmem>>
        %dma_wait3A_1108 = arith.constant 0 : i32
        %dma_wait3A_1109 = tpu.memref_slice %arg4[%add3A_1096, %dma_wait3A_1108] : memref<204800x64xf32, #tpu.memory_space<hbm>> -> memref<128x64xf32, #tpu.memory_space<hbm>>
        %dma_wait3A_1110 = arith.constant 0 : i32
        %dma_wait3A_1111 = tpu.memref_slice %arg4[%add3A_1096, %dma_wait3A_1110] : memref<204800x64xf32, #tpu.memory_space<hbm>> -> memref<128x64xf32, #tpu.memory_space<hbm>>
        %dma_wait3A_1112 = arith.constant 0 : i32
        %dma_wait3A_1113 = arith.constant 0 : i32
        %dma_wait3A_1114 = arith.constant 0 : i32
        %dma_wait3A_1115 = tpu.memref_slice %arg6[%dma_wait3A_1097, %dma_wait3A_1112, %dma_wait3A_1113, %dma_wait3A_1114] : memref<2x5x128x64xf32, #tpu.memory_space<vmem>> -> memref<1x5x128x64xf32, #tpu.memory_space<vmem>>
        %dma_wait3A_1116 = tpu.memref_squeeze %dma_wait3A_1115 : memref<1x5x128x64xf32, #tpu.memory_space<vmem>> -> memref<5x128x64xf32, #tpu.memory_space<vmem>>
        %dma_wait3A_1117 = arith.constant 0 : i32
        %dma_wait3A_1118 = arith.constant 0 : i32
        %dma_wait3A_1119 = tpu.memref_slice %dma_wait3A_1116[%dma_wait3A_1098, %dma_wait3A_1117, %dma_wait3A_1118] : memref<5x128x64xf32, #tpu.memory_space<vmem>> -> memref<1x128x64xf32, #tpu.memory_space<vmem>>
        %dma_wait3A_1120 = tpu.memref_squeeze %dma_wait3A_1119 : memref<1x128x64xf32, #tpu.memory_space<vmem>> -> memref<128x64xf32, #tpu.memory_space<vmem>>
        tpu.wait_dma2 semaphore(%arg10 : memref<!tpu.dma_semaphore, #tpu.memory_space<semaphore_mem>>) src(%dma_wait3A_1120 : memref<128x64xf32, #tpu.memory_space<vmem>>) dst(%dma_wait3A_1111 : memref<128x64xf32, #tpu.memory_space<hbm>>)
        %mul3A_1121 = arith.constant 5 : i32
        %mul3A_1122 = arith.muli %sub3A_996, %mul3A_1121 : i32
        %add3A_1123 = arith.constant 4 : i32
        %add3A_1124 = arith.addi %mul3A_1122, %add3A_1123 : i32
        %mul3A_1125 = arith.constant 128 : i32
        %mul3A_1126 = arith.muli %add3A_1124, %mul3A_1125 : i32
        %add3A_1127 = arith.addi %mul3A_2, %mul3A_1126 : i32
        %dma_wait3A_1128 = arith.constant 1 : i32
        %dma_wait3A_1129 = arith.constant 4 : i32
        %dma_wait3A_1130 = arith.constant 0 : i32
        %dma_wait3A_1131 = arith.constant 0 : i32
        %dma_wait3A_1132 = arith.constant 0 : i32
        %dma_wait3A_1133 = tpu.memref_slice %arg6[%dma_wait3A_1128, %dma_wait3A_1130, %dma_wait3A_1131, %dma_wait3A_1132] : memref<2x5x128x64xf32, #tpu.memory_space<vmem>> -> memref<1x5x128x64xf32, #tpu.memory_space<vmem>>
        %dma_wait3A_1134 = tpu.memref_squeeze %dma_wait3A_1133 : memref<1x5x128x64xf32, #tpu.memory_space<vmem>> -> memref<5x128x64xf32, #tpu.memory_space<vmem>>
        %dma_wait3A_1135 = arith.constant 0 : i32
        %dma_wait3A_1136 = arith.constant 0 : i32
        %dma_wait3A_1137 = tpu.memref_slice %dma_wait3A_1134[%dma_wait3A_1129, %dma_wait3A_1135, %dma_wait3A_1136] : memref<5x128x64xf32, #tpu.memory_space<vmem>> -> memref<1x128x64xf32, #tpu.memory_space<vmem>>
        %dma_wait3A_1138 = tpu.memref_squeeze %dma_wait3A_1137 : memref<1x128x64xf32, #tpu.memory_space<vmem>> -> memref<128x64xf32, #tpu.memory_space<vmem>>
        %dma_wait3A_1139 = arith.constant 0 : i32
        %dma_wait3A_1140 = tpu.memref_slice %arg4[%add3A_1127, %dma_wait3A_1139] : memref<204800x64xf32, #tpu.memory_space<hbm>> -> memref<128x64xf32, #tpu.memory_space<hbm>>
        %dma_wait3A_1141 = arith.constant 0 : i32
        %dma_wait3A_1142 = tpu.memref_slice %arg4[%add3A_1127, %dma_wait3A_1141] : memref<204800x64xf32, #tpu.memory_space<hbm>> -> memref<128x64xf32, #tpu.memory_space<hbm>>
        %dma_wait3A_1143 = arith.constant 0 : i32
        %dma_wait3A_1144 = arith.constant 0 : i32
        %dma_wait3A_1145 = arith.constant 0 : i32
        %dma_wait3A_1146 = tpu.memref_slice %arg6[%dma_wait3A_1128, %dma_wait3A_1143, %dma_wait3A_1144, %dma_wait3A_1145] : memref<2x5x128x64xf32, #tpu.memory_space<vmem>> -> memref<1x5x128x64xf32, #tpu.memory_space<vmem>>
        %dma_wait3A_1147 = tpu.memref_squeeze %dma_wait3A_1146 : memref<1x5x128x64xf32, #tpu.memory_space<vmem>> -> memref<5x128x64xf32, #tpu.memory_space<vmem>>
        %dma_wait3A_1148 = arith.constant 0 : i32
        %dma_wait3A_1149 = arith.constant 0 : i32
        %dma_wait3A_1150 = tpu.memref_slice %dma_wait3A_1147[%dma_wait3A_1129, %dma_wait3A_1148, %dma_wait3A_1149] : memref<5x128x64xf32, #tpu.memory_space<vmem>> -> memref<1x128x64xf32, #tpu.memory_space<vmem>>
        %dma_wait3A_1151 = tpu.memref_squeeze %dma_wait3A_1150 : memref<1x128x64xf32, #tpu.memory_space<vmem>> -> memref<128x64xf32, #tpu.memory_space<vmem>>
        tpu.wait_dma2 semaphore(%arg10 : memref<!tpu.dma_semaphore, #tpu.memory_space<semaphore_mem>>) src(%dma_wait3A_1151 : memref<128x64xf32, #tpu.memory_space<vmem>>) dst(%dma_wait3A_1142 : memref<128x64xf32, #tpu.memory_space<hbm>>)
      } else {
      }
      %mul3A_365 = arith.constant 5 : i32
      %mul3A_366 = arith.muli %add3A_362, %mul3A_365 : i32
      %add3A_367 = arith.constant 0 : i32
      %add3A_368 = arith.addi %mul3A_366, %add3A_367 : i32
      %dma_start3A_369 = arith.constant 1 : i32
      %dma_start3A_370 = arith.constant 0 : i32
      %dma_start3A_371 = arith.constant 0 : i32
      %dma_start3A_372 = arith.constant 0 : i32
      %dma_start3A_373 = arith.constant 0 : i32
      %dma_start3A_374 = tpu.memref_slice %arg6[%dma_start3A_369, %dma_start3A_371, %dma_start3A_372, %dma_start3A_373] : memref<2x5x128x64xf32, #tpu.memory_space<vmem>> -> memref<1x5x128x64xf32, #tpu.memory_space<vmem>>
      %dma_start3A_375 = tpu.memref_squeeze %dma_start3A_374 : memref<1x5x128x64xf32, #tpu.memory_space<vmem>> -> memref<5x128x64xf32, #tpu.memory_space<vmem>>
      %dma_start3A_376 = arith.constant 0 : i32
      %dma_start3A_377 = arith.constant 0 : i32
      %dma_start3A_378 = tpu.memref_slice %dma_start3A_375[%dma_start3A_370, %dma_start3A_376, %dma_start3A_377] : memref<5x128x64xf32, #tpu.memory_space<vmem>> -> memref<1x128x64xf32, #tpu.memory_space<vmem>>
      %dma_start3A_379 = tpu.memref_squeeze %dma_start3A_378 : memref<1x128x64xf32, #tpu.memory_space<vmem>> -> memref<128x64xf32, #tpu.memory_space<vmem>>
      %dma_start3A_380 = arith.constant 0 : i32
      %dma_start3A_381 = tpu.memref_slice %arg5[%add3A_368, %dma_start3A_380] : memref<50x128xi32, #tpu.memory_space<vmem>> -> memref<1x128xi32, #tpu.memory_space<vmem>>
      %dma_start3A_382 = tpu.memref_squeeze %dma_start3A_381 : memref<1x128xi32, #tpu.memory_space<vmem>> -> memref<128xi32, #tpu.memory_space<vmem>>
      %dma_start3A_383 = arith.constant 0 : i32
      %dma_start3A_384 = arith.constant 0 : i32
      %dma_start3A_385 = tpu.memref_slice %arg3[%dma_start3A_383, %dma_start3A_384] : memref<100000x64xf32, #tpu.memory_space<hbm>> -> memref<100000x64xf32, #tpu.memory_space<hbm>>
      tpu.enqueue_indirect_dma source(%dma_start3A_385 : memref<100000x64xf32, #tpu.memory_space<hbm>>) target(%dma_start3A_379 : memref<128x64xf32, #tpu.memory_space<vmem>>) offsets(%dma_start3A_382 : memref<128xi32, #tpu.memory_space<vmem>>) semaphore(%arg8 : memref<!tpu.dma_semaphore, #tpu.memory_space<semaphore_mem>>)
      %mul3A_386 = arith.constant 5 : i32
      %mul3A_387 = arith.muli %add3A_362, %mul3A_386 : i32
      %add3A_388 = arith.constant 1 : i32
      %add3A_389 = arith.addi %mul3A_387, %add3A_388 : i32
      %dma_start3A_390 = arith.constant 1 : i32
      %dma_start3A_391 = arith.constant 1 : i32
      %dma_start3A_392 = arith.constant 0 : i32
      %dma_start3A_393 = arith.constant 0 : i32
      %dma_start3A_394 = arith.constant 0 : i32
      %dma_start3A_395 = tpu.memref_slice %arg6[%dma_start3A_390, %dma_start3A_392, %dma_start3A_393, %dma_start3A_394] : memref<2x5x128x64xf32, #tpu.memory_space<vmem>> -> memref<1x5x128x64xf32, #tpu.memory_space<vmem>>
      %dma_start3A_396 = tpu.memref_squeeze %dma_start3A_395 : memref<1x5x128x64xf32, #tpu.memory_space<vmem>> -> memref<5x128x64xf32, #tpu.memory_space<vmem>>
      %dma_start3A_397 = arith.constant 0 : i32
      %dma_start3A_398 = arith.constant 0 : i32
      %dma_start3A_399 = tpu.memref_slice %dma_start3A_396[%dma_start3A_391, %dma_start3A_397, %dma_start3A_398] : memref<5x128x64xf32, #tpu.memory_space<vmem>> -> memref<1x128x64xf32, #tpu.memory_space<vmem>>
      %dma_start3A_400 = tpu.memref_squeeze %dma_start3A_399 : memref<1x128x64xf32, #tpu.memory_space<vmem>> -> memref<128x64xf32, #tpu.memory_space<vmem>>
      %dma_start3A_401 = arith.constant 0 : i32
      %dma_start3A_402 = tpu.memref_slice %arg5[%add3A_389, %dma_start3A_401] : memref<50x128xi32, #tpu.memory_space<vmem>> -> memref<1x128xi32, #tpu.memory_space<vmem>>
      %dma_start3A_403 = tpu.memref_squeeze %dma_start3A_402 : memref<1x128xi32, #tpu.memory_space<vmem>> -> memref<128xi32, #tpu.memory_space<vmem>>
      %dma_start3A_404 = arith.constant 0 : i32
      %dma_start3A_405 = arith.constant 0 : i32
      %dma_start3A_406 = tpu.memref_slice %arg3[%dma_start3A_404, %dma_start3A_405] : memref<100000x64xf32, #tpu.memory_space<hbm>> -> memref<100000x64xf32, #tpu.memory_space<hbm>>
      tpu.enqueue_indirect_dma source(%dma_start3A_406 : memref<100000x64xf32, #tpu.memory_space<hbm>>) target(%dma_start3A_400 : memref<128x64xf32, #tpu.memory_space<vmem>>) offsets(%dma_start3A_403 : memref<128xi32, #tpu.memory_space<vmem>>) semaphore(%arg8 : memref<!tpu.dma_semaphore, #tpu.memory_space<semaphore_mem>>)
      %mul3A_407 = arith.constant 5 : i32
      %mul3A_408 = arith.muli %add3A_362, %mul3A_407 : i32
      %add3A_409 = arith.constant 2 : i32
      %add3A_410 = arith.addi %mul3A_408, %add3A_409 : i32
      %dma_start3A_411 = arith.constant 1 : i32
      %dma_start3A_412 = arith.constant 2 : i32
      %dma_start3A_413 = arith.constant 0 : i32
      %dma_start3A_414 = arith.constant 0 : i32
      %dma_start3A_415 = arith.constant 0 : i32
      %dma_start3A_416 = tpu.memref_slice %arg6[%dma_start3A_411, %dma_start3A_413, %dma_start3A_414, %dma_start3A_415] : memref<2x5x128x64xf32, #tpu.memory_space<vmem>> -> memref<1x5x128x64xf32, #tpu.memory_space<vmem>>
      %dma_start3A_417 = tpu.memref_squeeze %dma_start3A_416 : memref<1x5x128x64xf32, #tpu.memory_space<vmem>> -> memref<5x128x64xf32, #tpu.memory_space<vmem>>
      %dma_start3A_418 = arith.constant 0 : i32
      %dma_start3A_419 = arith.constant 0 : i32
      %dma_start3A_420 = tpu.memref_slice %dma_start3A_417[%dma_start3A_412, %dma_start3A_418, %dma_start3A_419] : memref<5x128x64xf32, #tpu.memory_space<vmem>> -> memref<1x128x64xf32, #tpu.memory_space<vmem>>
      %dma_start3A_421 = tpu.memref_squeeze %dma_start3A_420 : memref<1x128x64xf32, #tpu.memory_space<vmem>> -> memref<128x64xf32, #tpu.memory_space<vmem>>
      %dma_start3A_422 = arith.constant 0 : i32
      %dma_start3A_423 = tpu.memref_slice %arg5[%add3A_410, %dma_start3A_422] : memref<50x128xi32, #tpu.memory_space<vmem>> -> memref<1x128xi32, #tpu.memory_space<vmem>>
      %dma_start3A_424 = tpu.memref_squeeze %dma_start3A_423 : memref<1x128xi32, #tpu.memory_space<vmem>> -> memref<128xi32, #tpu.memory_space<vmem>>
      %dma_start3A_425 = arith.constant 0 : i32
      %dma_start3A_426 = arith.constant 0 : i32
      %dma_start3A_427 = tpu.memref_slice %arg3[%dma_start3A_425, %dma_start3A_426] : memref<100000x64xf32, #tpu.memory_space<hbm>> -> memref<100000x64xf32, #tpu.memory_space<hbm>>
      tpu.enqueue_indirect_dma source(%dma_start3A_427 : memref<100000x64xf32, #tpu.memory_space<hbm>>) target(%dma_start3A_421 : memref<128x64xf32, #tpu.memory_space<vmem>>) offsets(%dma_start3A_424 : memref<128xi32, #tpu.memory_space<vmem>>) semaphore(%arg8 : memref<!tpu.dma_semaphore, #tpu.memory_space<semaphore_mem>>)
      %mul3A_428 = arith.constant 5 : i32
      %mul3A_429 = arith.muli %add3A_362, %mul3A_428 : i32
      %add3A_430 = arith.constant 3 : i32
      %add3A_431 = arith.addi %mul3A_429, %add3A_430 : i32
      %dma_start3A_432 = arith.constant 1 : i32
      %dma_start3A_433 = arith.constant 3 : i32
      %dma_start3A_434 = arith.constant 0 : i32
      %dma_start3A_435 = arith.constant 0 : i32
      %dma_start3A_436 = arith.constant 0 : i32
      %dma_start3A_437 = tpu.memref_slice %arg6[%dma_start3A_432, %dma_start3A_434, %dma_start3A_435, %dma_start3A_436] : memref<2x5x128x64xf32, #tpu.memory_space<vmem>> -> memref<1x5x128x64xf32, #tpu.memory_space<vmem>>
      %dma_start3A_438 = tpu.memref_squeeze %dma_start3A_437 : memref<1x5x128x64xf32, #tpu.memory_space<vmem>> -> memref<5x128x64xf32, #tpu.memory_space<vmem>>
      %dma_start3A_439 = arith.constant 0 : i32
      %dma_start3A_440 = arith.constant 0 : i32
      %dma_start3A_441 = tpu.memref_slice %dma_start3A_438[%dma_start3A_433, %dma_start3A_439, %dma_start3A_440] : memref<5x128x64xf32, #tpu.memory_space<vmem>> -> memref<1x128x64xf32, #tpu.memory_space<vmem>>
      %dma_start3A_442 = tpu.memref_squeeze %dma_start3A_441 : memref<1x128x64xf32, #tpu.memory_space<vmem>> -> memref<128x64xf32, #tpu.memory_space<vmem>>
      %dma_start3A_443 = arith.constant 0 : i32
      %dma_start3A_444 = tpu.memref_slice %arg5[%add3A_431, %dma_start3A_443] : memref<50x128xi32, #tpu.memory_space<vmem>> -> memref<1x128xi32, #tpu.memory_space<vmem>>
      %dma_start3A_445 = tpu.memref_squeeze %dma_start3A_444 : memref<1x128xi32, #tpu.memory_space<vmem>> -> memref<128xi32, #tpu.memory_space<vmem>>
      %dma_start3A_446 = arith.constant 0 : i32
      %dma_start3A_447 = arith.constant 0 : i32
      %dma_start3A_448 = tpu.memref_slice %arg3[%dma_start3A_446, %dma_start3A_447] : memref<100000x64xf32, #tpu.memory_space<hbm>> -> memref<100000x64xf32, #tpu.memory_space<hbm>>
      tpu.enqueue_indirect_dma source(%dma_start3A_448 : memref<100000x64xf32, #tpu.memory_space<hbm>>) target(%dma_start3A_442 : memref<128x64xf32, #tpu.memory_space<vmem>>) offsets(%dma_start3A_445 : memref<128xi32, #tpu.memory_space<vmem>>) semaphore(%arg8 : memref<!tpu.dma_semaphore, #tpu.memory_space<semaphore_mem>>)
      %mul3A_449 = arith.constant 5 : i32
      %mul3A_450 = arith.muli %add3A_362, %mul3A_449 : i32
      %add3A_451 = arith.constant 4 : i32
      %add3A_452 = arith.addi %mul3A_450, %add3A_451 : i32
      %dma_start3A_453 = arith.constant 1 : i32
      %dma_start3A_454 = arith.constant 4 : i32
      %dma_start3A_455 = arith.constant 0 : i32
      %dma_start3A_456 = arith.constant 0 : i32
      %dma_start3A_457 = arith.constant 0 : i32
      %dma_start3A_458 = tpu.memref_slice %arg6[%dma_start3A_453, %dma_start3A_455, %dma_start3A_456, %dma_start3A_457] : memref<2x5x128x64xf32, #tpu.memory_space<vmem>> -> memref<1x5x128x64xf32, #tpu.memory_space<vmem>>
      %dma_start3A_459 = tpu.memref_squeeze %dma_start3A_458 : memref<1x5x128x64xf32, #tpu.memory_space<vmem>> -> memref<5x128x64xf32, #tpu.memory_space<vmem>>
      %dma_start3A_460 = arith.constant 0 : i32
      %dma_start3A_461 = arith.constant 0 : i32
      %dma_start3A_462 = tpu.memref_slice %dma_start3A_459[%dma_start3A_454, %dma_start3A_460, %dma_start3A_461] : memref<5x128x64xf32, #tpu.memory_space<vmem>> -> memref<1x128x64xf32, #tpu.memory_space<vmem>>
      %dma_start3A_463 = tpu.memref_squeeze %dma_start3A_462 : memref<1x128x64xf32, #tpu.memory_space<vmem>> -> memref<128x64xf32, #tpu.memory_space<vmem>>
      %dma_start3A_464 = arith.constant 0 : i32
      %dma_start3A_465 = tpu.memref_slice %arg5[%add3A_452, %dma_start3A_464] : memref<50x128xi32, #tpu.memory_space<vmem>> -> memref<1x128xi32, #tpu.memory_space<vmem>>
      %dma_start3A_466 = tpu.memref_squeeze %dma_start3A_465 : memref<1x128xi32, #tpu.memory_space<vmem>> -> memref<128xi32, #tpu.memory_space<vmem>>
      %dma_start3A_467 = arith.constant 0 : i32
      %dma_start3A_468 = arith.constant 0 : i32
      %dma_start3A_469 = tpu.memref_slice %arg3[%dma_start3A_467, %dma_start3A_468] : memref<100000x64xf32, #tpu.memory_space<hbm>> -> memref<100000x64xf32, #tpu.memory_space<hbm>>
      tpu.enqueue_indirect_dma source(%dma_start3A_469 : memref<100000x64xf32, #tpu.memory_space<hbm>>) target(%dma_start3A_463 : memref<128x64xf32, #tpu.memory_space<vmem>>) offsets(%dma_start3A_466 : memref<128xi32, #tpu.memory_space<vmem>>) semaphore(%arg8 : memref<!tpu.dma_semaphore, #tpu.memory_space<semaphore_mem>>)
      %mul3A_470 = arith.constant 5 : i32
      %mul3A_471 = arith.muli %mul3A_358, %mul3A_470 : i32
      %add3A_472 = arith.constant 0 : i32
      %add3A_473 = arith.addi %mul3A_471, %add3A_472 : i32
      %dma_wait3A_474 = arith.constant 0 : i32
      %dma_wait3A_475 = arith.constant 0 : i32
      %dma_wait3A_476 = arith.constant 0 : i32
      %dma_wait3A_477 = arith.constant 0 : i32
      %dma_wait3A_478 = arith.constant 0 : i32
      %dma_wait3A_479 = tpu.memref_slice %arg6[%dma_wait3A_474, %dma_wait3A_476, %dma_wait3A_477, %dma_wait3A_478] : memref<2x5x128x64xf32, #tpu.memory_space<vmem>> -> memref<1x5x128x64xf32, #tpu.memory_space<vmem>>
      %dma_wait3A_480 = tpu.memref_squeeze %dma_wait3A_479 : memref<1x5x128x64xf32, #tpu.memory_space<vmem>> -> memref<5x128x64xf32, #tpu.memory_space<vmem>>
      %dma_wait3A_481 = arith.constant 0 : i32
      %dma_wait3A_482 = arith.constant 0 : i32
      %dma_wait3A_483 = tpu.memref_slice %dma_wait3A_480[%dma_wait3A_475, %dma_wait3A_481, %dma_wait3A_482] : memref<5x128x64xf32, #tpu.memory_space<vmem>> -> memref<1x128x64xf32, #tpu.memory_space<vmem>>
      %dma_wait3A_484 = tpu.memref_squeeze %dma_wait3A_483 : memref<1x128x64xf32, #tpu.memory_space<vmem>> -> memref<128x64xf32, #tpu.memory_space<vmem>>
      %dma_wait3A_485 = arith.constant 0 : i32
      %dma_wait3A_486 = tpu.memref_slice %arg5[%add3A_473, %dma_wait3A_485] : memref<50x128xi32, #tpu.memory_space<vmem>> -> memref<1x128xi32, #tpu.memory_space<vmem>>
      %dma_wait3A_487 = tpu.memref_squeeze %dma_wait3A_486 : memref<1x128xi32, #tpu.memory_space<vmem>> -> memref<128xi32, #tpu.memory_space<vmem>>
      %dma_wait3A_488 = arith.constant 0 : i32
      %dma_wait3A_489 = arith.constant 0 : i32
      %dma_wait3A_490 = tpu.memref_slice %arg3[%dma_wait3A_488, %dma_wait3A_489] : memref<100000x64xf32, #tpu.memory_space<hbm>> -> memref<100000x64xf32, #tpu.memory_space<hbm>>
      tpu.wait_indirect_dma semaphore(%arg7 : memref<!tpu.dma_semaphore, #tpu.memory_space<semaphore_mem>>) src(%dma_wait3A_490 : memref<100000x64xf32, #tpu.memory_space<hbm>>) dst(%dma_wait3A_484 : memref<128x64xf32, #tpu.memory_space<vmem>>)
      %mul3A_491 = arith.constant 5 : i32
      %mul3A_492 = arith.muli %mul3A_358, %mul3A_491 : i32
      %add3A_493 = arith.constant 1 : i32
      %add3A_494 = arith.addi %mul3A_492, %add3A_493 : i32
      %dma_wait3A_495 = arith.constant 0 : i32
      %dma_wait3A_496 = arith.constant 1 : i32
      %dma_wait3A_497 = arith.constant 0 : i32
      %dma_wait3A_498 = arith.constant 0 : i32
      %dma_wait3A_499 = arith.constant 0 : i32
      %dma_wait3A_500 = tpu.memref_slice %arg6[%dma_wait3A_495, %dma_wait3A_497, %dma_wait3A_498, %dma_wait3A_499] : memref<2x5x128x64xf32, #tpu.memory_space<vmem>> -> memref<1x5x128x64xf32, #tpu.memory_space<vmem>>
      %dma_wait3A_501 = tpu.memref_squeeze %dma_wait3A_500 : memref<1x5x128x64xf32, #tpu.memory_space<vmem>> -> memref<5x128x64xf32, #tpu.memory_space<vmem>>
      %dma_wait3A_502 = arith.constant 0 : i32
      %dma_wait3A_503 = arith.constant 0 : i32
      %dma_wait3A_504 = tpu.memref_slice %dma_wait3A_501[%dma_wait3A_496, %dma_wait3A_502, %dma_wait3A_503] : memref<5x128x64xf32, #tpu.memory_space<vmem>> -> memref<1x128x64xf32, #tpu.memory_space<vmem>>
      %dma_wait3A_505 = tpu.memref_squeeze %dma_wait3A_504 : memref<1x128x64xf32, #tpu.memory_space<vmem>> -> memref<128x64xf32, #tpu.memory_space<vmem>>
      %dma_wait3A_506 = arith.constant 0 : i32
      %dma_wait3A_507 = tpu.memref_slice %arg5[%add3A_494, %dma_wait3A_506] : memref<50x128xi32, #tpu.memory_space<vmem>> -> memref<1x128xi32, #tpu.memory_space<vmem>>
      %dma_wait3A_508 = tpu.memref_squeeze %dma_wait3A_507 : memref<1x128xi32, #tpu.memory_space<vmem>> -> memref<128xi32, #tpu.memory_space<vmem>>
      %dma_wait3A_509 = arith.constant 0 : i32
      %dma_wait3A_510 = arith.constant 0 : i32
      %dma_wait3A_511 = tpu.memref_slice %arg3[%dma_wait3A_509, %dma_wait3A_510] : memref<100000x64xf32, #tpu.memory_space<hbm>> -> memref<100000x64xf32, #tpu.memory_space<hbm>>
      tpu.wait_indirect_dma semaphore(%arg7 : memref<!tpu.dma_semaphore, #tpu.memory_space<semaphore_mem>>) src(%dma_wait3A_511 : memref<100000x64xf32, #tpu.memory_space<hbm>>) dst(%dma_wait3A_505 : memref<128x64xf32, #tpu.memory_space<vmem>>)
      %mul3A_512 = arith.constant 5 : i32
      %mul3A_513 = arith.muli %mul3A_358, %mul3A_512 : i32
      %add3A_514 = arith.constant 2 : i32
      %add3A_515 = arith.addi %mul3A_513, %add3A_514 : i32
      %dma_wait3A_516 = arith.constant 0 : i32
      %dma_wait3A_517 = arith.constant 2 : i32
      %dma_wait3A_518 = arith.constant 0 : i32
      %dma_wait3A_519 = arith.constant 0 : i32
      %dma_wait3A_520 = arith.constant 0 : i32
      %dma_wait3A_521 = tpu.memref_slice %arg6[%dma_wait3A_516, %dma_wait3A_518, %dma_wait3A_519, %dma_wait3A_520] : memref<2x5x128x64xf32, #tpu.memory_space<vmem>> -> memref<1x5x128x64xf32, #tpu.memory_space<vmem>>
      %dma_wait3A_522 = tpu.memref_squeeze %dma_wait3A_521 : memref<1x5x128x64xf32, #tpu.memory_space<vmem>> -> memref<5x128x64xf32, #tpu.memory_space<vmem>>
      %dma_wait3A_523 = arith.constant 0 : i32
      %dma_wait3A_524 = arith.constant 0 : i32
      %dma_wait3A_525 = tpu.memref_slice %dma_wait3A_522[%dma_wait3A_517, %dma_wait3A_523, %dma_wait3A_524] : memref<5x128x64xf32, #tpu.memory_space<vmem>> -> memref<1x128x64xf32, #tpu.memory_space<vmem>>
      %dma_wait3A_526 = tpu.memref_squeeze %dma_wait3A_525 : memref<1x128x64xf32, #tpu.memory_space<vmem>> -> memref<128x64xf32, #tpu.memory_space<vmem>>
      %dma_wait3A_527 = arith.constant 0 : i32
      %dma_wait3A_528 = tpu.memref_slice %arg5[%add3A_515, %dma_wait3A_527] : memref<50x128xi32, #tpu.memory_space<vmem>> -> memref<1x128xi32, #tpu.memory_space<vmem>>
      %dma_wait3A_529 = tpu.memref_squeeze %dma_wait3A_528 : memref<1x128xi32, #tpu.memory_space<vmem>> -> memref<128xi32, #tpu.memory_space<vmem>>
      %dma_wait3A_530 = arith.constant 0 : i32
      %dma_wait3A_531 = arith.constant 0 : i32
      %dma_wait3A_532 = tpu.memref_slice %arg3[%dma_wait3A_530, %dma_wait3A_531] : memref<100000x64xf32, #tpu.memory_space<hbm>> -> memref<100000x64xf32, #tpu.memory_space<hbm>>
      tpu.wait_indirect_dma semaphore(%arg7 : memref<!tpu.dma_semaphore, #tpu.memory_space<semaphore_mem>>) src(%dma_wait3A_532 : memref<100000x64xf32, #tpu.memory_space<hbm>>) dst(%dma_wait3A_526 : memref<128x64xf32, #tpu.memory_space<vmem>>)
      %mul3A_533 = arith.constant 5 : i32
      %mul3A_534 = arith.muli %mul3A_358, %mul3A_533 : i32
      %add3A_535 = arith.constant 3 : i32
      %add3A_536 = arith.addi %mul3A_534, %add3A_535 : i32
      %dma_wait3A_537 = arith.constant 0 : i32
      %dma_wait3A_538 = arith.constant 3 : i32
      %dma_wait3A_539 = arith.constant 0 : i32
      %dma_wait3A_540 = arith.constant 0 : i32
      %dma_wait3A_541 = arith.constant 0 : i32
      %dma_wait3A_542 = tpu.memref_slice %arg6[%dma_wait3A_537, %dma_wait3A_539, %dma_wait3A_540, %dma_wait3A_541] : memref<2x5x128x64xf32, #tpu.memory_space<vmem>> -> memref<1x5x128x64xf32, #tpu.memory_space<vmem>>
      %dma_wait3A_543 = tpu.memref_squeeze %dma_wait3A_542 : memref<1x5x128x64xf32, #tpu.memory_space<vmem>> -> memref<5x128x64xf32, #tpu.memory_space<vmem>>
      %dma_wait3A_544 = arith.constant 0 : i32
      %dma_wait3A_545 = arith.constant 0 : i32
      %dma_wait3A_546 = tpu.memref_slice %dma_wait3A_543[%dma_wait3A_538, %dma_wait3A_544, %dma_wait3A_545] : memref<5x128x64xf32, #tpu.memory_space<vmem>> -> memref<1x128x64xf32, #tpu.memory_space<vmem>>
      %dma_wait3A_547 = tpu.memref_squeeze %dma_wait3A_546 : memref<1x128x64xf32, #tpu.memory_space<vmem>> -> memref<128x64xf32, #tpu.memory_space<vmem>>
      %dma_wait3A_548 = arith.constant 0 : i32
      %dma_wait3A_549 = tpu.memref_slice %arg5[%add3A_536, %dma_wait3A_548] : memref<50x128xi32, #tpu.memory_space<vmem>> -> memref<1x128xi32, #tpu.memory_space<vmem>>
      %dma_wait3A_550 = tpu.memref_squeeze %dma_wait3A_549 : memref<1x128xi32, #tpu.memory_space<vmem>> -> memref<128xi32, #tpu.memory_space<vmem>>
      %dma_wait3A_551 = arith.constant 0 : i32
      %dma_wait3A_552 = arith.constant 0 : i32
      %dma_wait3A_553 = tpu.memref_slice %arg3[%dma_wait3A_551, %dma_wait3A_552] : memref<100000x64xf32, #tpu.memory_space<hbm>> -> memref<100000x64xf32, #tpu.memory_space<hbm>>
      tpu.wait_indirect_dma semaphore(%arg7 : memref<!tpu.dma_semaphore, #tpu.memory_space<semaphore_mem>>) src(%dma_wait3A_553 : memref<100000x64xf32, #tpu.memory_space<hbm>>) dst(%dma_wait3A_547 : memref<128x64xf32, #tpu.memory_space<vmem>>)
      %mul3A_554 = arith.constant 5 : i32
      %mul3A_555 = arith.muli %mul3A_358, %mul3A_554 : i32
      %add3A_556 = arith.constant 4 : i32
      %add3A_557 = arith.addi %mul3A_555, %add3A_556 : i32
      %dma_wait3A_558 = arith.constant 0 : i32
      %dma_wait3A_559 = arith.constant 4 : i32
      %dma_wait3A_560 = arith.constant 0 : i32
      %dma_wait3A_561 = arith.constant 0 : i32
      %dma_wait3A_562 = arith.constant 0 : i32
      %dma_wait3A_563 = tpu.memref_slice %arg6[%dma_wait3A_558, %dma_wait3A_560, %dma_wait3A_561, %dma_wait3A_562] : memref<2x5x128x64xf32, #tpu.memory_space<vmem>> -> memref<1x5x128x64xf32, #tpu.memory_space<vmem>>
      %dma_wait3A_564 = tpu.memref_squeeze %dma_wait3A_563 : memref<1x5x128x64xf32, #tpu.memory_space<vmem>> -> memref<5x128x64xf32, #tpu.memory_space<vmem>>
      %dma_wait3A_565 = arith.constant 0 : i32
      %dma_wait3A_566 = arith.constant 0 : i32
      %dma_wait3A_567 = tpu.memref_slice %dma_wait3A_564[%dma_wait3A_559, %dma_wait3A_565, %dma_wait3A_566] : memref<5x128x64xf32, #tpu.memory_space<vmem>> -> memref<1x128x64xf32, #tpu.memory_space<vmem>>
      %dma_wait3A_568 = tpu.memref_squeeze %dma_wait3A_567 : memref<1x128x64xf32, #tpu.memory_space<vmem>> -> memref<128x64xf32, #tpu.memory_space<vmem>>
      %dma_wait3A_569 = arith.constant 0 : i32
      %dma_wait3A_570 = tpu.memref_slice %arg5[%add3A_557, %dma_wait3A_569] : memref<50x128xi32, #tpu.memory_space<vmem>> -> memref<1x128xi32, #tpu.memory_space<vmem>>
      %dma_wait3A_571 = tpu.memref_squeeze %dma_wait3A_570 : memref<1x128xi32, #tpu.memory_space<vmem>> -> memref<128xi32, #tpu.memory_space<vmem>>
      %dma_wait3A_572 = arith.constant 0 : i32
      %dma_wait3A_573 = arith.constant 0 : i32
      %dma_wait3A_574 = tpu.memref_slice %arg3[%dma_wait3A_572, %dma_wait3A_573] : memref<100000x64xf32, #tpu.memory_space<hbm>> -> memref<100000x64xf32, #tpu.memory_space<hbm>>
      tpu.wait_indirect_dma semaphore(%arg7 : memref<!tpu.dma_semaphore, #tpu.memory_space<semaphore_mem>>) src(%dma_wait3A_574 : memref<100000x64xf32, #tpu.memory_space<hbm>>) dst(%dma_wait3A_568 : memref<128x64xf32, #tpu.memory_space<vmem>>)
      %mul3A_575 = arith.constant 5 : i32
      %mul3A_576 = arith.muli %mul3A_358, %mul3A_575 : i32
      %add3A_577 = arith.constant 0 : i32
      %add3A_578 = arith.addi %mul3A_576, %add3A_577 : i32
      %mul3A_579 = arith.constant 128 : i32
      %mul3A_580 = arith.muli %add3A_578, %mul3A_579 : i32
      %add3A_581 = arith.addi %mul3A_2, %mul3A_580 : i32
      %dma_start3A_582 = arith.constant 0 : i32
      %dma_start3A_583 = arith.constant 0 : i32
      %dma_start3A_584 = arith.constant 0 : i32
      %dma_start3A_585 = arith.constant 0 : i32
      %dma_start3A_586 = arith.constant 0 : i32
      %dma_start3A_587 = tpu.memref_slice %arg6[%dma_start3A_582, %dma_start3A_584, %dma_start3A_585, %dma_start3A_586] : memref<2x5x128x64xf32, #tpu.memory_space<vmem>> -> memref<1x5x128x64xf32, #tpu.memory_space<vmem>>
      %dma_start3A_588 = tpu.memref_squeeze %dma_start3A_587 : memref<1x5x128x64xf32, #tpu.memory_space<vmem>> -> memref<5x128x64xf32, #tpu.memory_space<vmem>>
      %dma_start3A_589 = arith.constant 0 : i32
      %dma_start3A_590 = arith.constant 0 : i32
      %dma_start3A_591 = tpu.memref_slice %dma_start3A_588[%dma_start3A_583, %dma_start3A_589, %dma_start3A_590] : memref<5x128x64xf32, #tpu.memory_space<vmem>> -> memref<1x128x64xf32, #tpu.memory_space<vmem>>
      %dma_start3A_592 = tpu.memref_squeeze %dma_start3A_591 : memref<1x128x64xf32, #tpu.memory_space<vmem>> -> memref<128x64xf32, #tpu.memory_space<vmem>>
      %dma_start3A_593 = arith.constant 0 : i32
      %dma_start3A_594 = tpu.memref_slice %arg4[%add3A_581, %dma_start3A_593] : memref<204800x64xf32, #tpu.memory_space<hbm>> -> memref<128x64xf32, #tpu.memory_space<hbm>>
      %dma_start3A_595 = arith.constant 0 : i32
      %dma_start3A_596 = tpu.memref_slice %arg4[%add3A_581, %dma_start3A_595] : memref<204800x64xf32, #tpu.memory_space<hbm>> -> memref<128x64xf32, #tpu.memory_space<hbm>>
      %dma_start3A_597 = arith.constant 0 : i32
      %dma_start3A_598 = arith.constant 0 : i32
      %dma_start3A_599 = arith.constant 0 : i32
      %dma_start3A_600 = tpu.memref_slice %arg6[%dma_start3A_582, %dma_start3A_597, %dma_start3A_598, %dma_start3A_599] : memref<2x5x128x64xf32, #tpu.memory_space<vmem>> -> memref<1x5x128x64xf32, #tpu.memory_space<vmem>>
      %dma_start3A_601 = tpu.memref_squeeze %dma_start3A_600 : memref<1x5x128x64xf32, #tpu.memory_space<vmem>> -> memref<5x128x64xf32, #tpu.memory_space<vmem>>
      %dma_start3A_602 = arith.constant 0 : i32
      %dma_start3A_603 = arith.constant 0 : i32
      %dma_start3A_604 = tpu.memref_slice %dma_start3A_601[%dma_start3A_583, %dma_start3A_602, %dma_start3A_603] : memref<5x128x64xf32, #tpu.memory_space<vmem>> -> memref<1x128x64xf32, #tpu.memory_space<vmem>>
      %dma_start3A_605 = tpu.memref_squeeze %dma_start3A_604 : memref<1x128x64xf32, #tpu.memory_space<vmem>> -> memref<128x64xf32, #tpu.memory_space<vmem>>
      tpu.enqueue_dma source(%dma_start3A_605 : memref<128x64xf32, #tpu.memory_space<vmem>>) target(%dma_start3A_596 : memref<128x64xf32, #tpu.memory_space<hbm>>) target_semaphore(%arg9 : memref<!tpu.dma_semaphore, #tpu.memory_space<semaphore_mem>>)
      %mul3A_606 = arith.constant 5 : i32
      %mul3A_607 = arith.muli %mul3A_358, %mul3A_606 : i32
      %add3A_608 = arith.constant 1 : i32
      %add3A_609 = arith.addi %mul3A_607, %add3A_608 : i32
      %mul3A_610 = arith.constant 128 : i32
      %mul3A_611 = arith.muli %add3A_609, %mul3A_610 : i32
      %add3A_612 = arith.addi %mul3A_2, %mul3A_611 : i32
      %dma_start3A_613 = arith.constant 0 : i32
      %dma_start3A_614 = arith.constant 1 : i32
      %dma_start3A_615 = arith.constant 0 : i32
      %dma_start3A_616 = arith.constant 0 : i32
      %dma_start3A_617 = arith.constant 0 : i32
      %dma_start3A_618 = tpu.memref_slice %arg6[%dma_start3A_613, %dma_start3A_615, %dma_start3A_616, %dma_start3A_617] : memref<2x5x128x64xf32, #tpu.memory_space<vmem>> -> memref<1x5x128x64xf32, #tpu.memory_space<vmem>>
      %dma_start3A_619 = tpu.memref_squeeze %dma_start3A_618 : memref<1x5x128x64xf32, #tpu.memory_space<vmem>> -> memref<5x128x64xf32, #tpu.memory_space<vmem>>
      %dma_start3A_620 = arith.constant 0 : i32
      %dma_start3A_621 = arith.constant 0 : i32
      %dma_start3A_622 = tpu.memref_slice %dma_start3A_619[%dma_start3A_614, %dma_start3A_620, %dma_start3A_621] : memref<5x128x64xf32, #tpu.memory_space<vmem>> -> memref<1x128x64xf32, #tpu.memory_space<vmem>>
      %dma_start3A_623 = tpu.memref_squeeze %dma_start3A_622 : memref<1x128x64xf32, #tpu.memory_space<vmem>> -> memref<128x64xf32, #tpu.memory_space<vmem>>
      %dma_start3A_624 = arith.constant 0 : i32
      %dma_start3A_625 = tpu.memref_slice %arg4[%add3A_612, %dma_start3A_624] : memref<204800x64xf32, #tpu.memory_space<hbm>> -> memref<128x64xf32, #tpu.memory_space<hbm>>
      %dma_start3A_626 = arith.constant 0 : i32
      %dma_start3A_627 = tpu.memref_slice %arg4[%add3A_612, %dma_start3A_626] : memref<204800x64xf32, #tpu.memory_space<hbm>> -> memref<128x64xf32, #tpu.memory_space<hbm>>
      %dma_start3A_628 = arith.constant 0 : i32
      %dma_start3A_629 = arith.constant 0 : i32
      %dma_start3A_630 = arith.constant 0 : i32
      %dma_start3A_631 = tpu.memref_slice %arg6[%dma_start3A_613, %dma_start3A_628, %dma_start3A_629, %dma_start3A_630] : memref<2x5x128x64xf32, #tpu.memory_space<vmem>> -> memref<1x5x128x64xf32, #tpu.memory_space<vmem>>
      %dma_start3A_632 = tpu.memref_squeeze %dma_start3A_631 : memref<1x5x128x64xf32, #tpu.memory_space<vmem>> -> memref<5x128x64xf32, #tpu.memory_space<vmem>>
      %dma_start3A_633 = arith.constant 0 : i32
      %dma_start3A_634 = arith.constant 0 : i32
      %dma_start3A_635 = tpu.memref_slice %dma_start3A_632[%dma_start3A_614, %dma_start3A_633, %dma_start3A_634] : memref<5x128x64xf32, #tpu.memory_space<vmem>> -> memref<1x128x64xf32, #tpu.memory_space<vmem>>
      %dma_start3A_636 = tpu.memref_squeeze %dma_start3A_635 : memref<1x128x64xf32, #tpu.memory_space<vmem>> -> memref<128x64xf32, #tpu.memory_space<vmem>>
      tpu.enqueue_dma source(%dma_start3A_636 : memref<128x64xf32, #tpu.memory_space<vmem>>) target(%dma_start3A_627 : memref<128x64xf32, #tpu.memory_space<hbm>>) target_semaphore(%arg9 : memref<!tpu.dma_semaphore, #tpu.memory_space<semaphore_mem>>)
      %mul3A_637 = arith.constant 5 : i32
      %mul3A_638 = arith.muli %mul3A_358, %mul3A_637 : i32
      %add3A_639 = arith.constant 2 : i32
      %add3A_640 = arith.addi %mul3A_638, %add3A_639 : i32
      %mul3A_641 = arith.constant 128 : i32
      %mul3A_642 = arith.muli %add3A_640, %mul3A_641 : i32
      %add3A_643 = arith.addi %mul3A_2, %mul3A_642 : i32
      %dma_start3A_644 = arith.constant 0 : i32
      %dma_start3A_645 = arith.constant 2 : i32
      %dma_start3A_646 = arith.constant 0 : i32
      %dma_start3A_647 = arith.constant 0 : i32
      %dma_start3A_648 = arith.constant 0 : i32
      %dma_start3A_649 = tpu.memref_slice %arg6[%dma_start3A_644, %dma_start3A_646, %dma_start3A_647, %dma_start3A_648] : memref<2x5x128x64xf32, #tpu.memory_space<vmem>> -> memref<1x5x128x64xf32, #tpu.memory_space<vmem>>
      %dma_start3A_650 = tpu.memref_squeeze %dma_start3A_649 : memref<1x5x128x64xf32, #tpu.memory_space<vmem>> -> memref<5x128x64xf32, #tpu.memory_space<vmem>>
      %dma_start3A_651 = arith.constant 0 : i32
      %dma_start3A_652 = arith.constant 0 : i32
      %dma_start3A_653 = tpu.memref_slice %dma_start3A_650[%dma_start3A_645, %dma_start3A_651, %dma_start3A_652] : memref<5x128x64xf32, #tpu.memory_space<vmem>> -> memref<1x128x64xf32, #tpu.memory_space<vmem>>
      %dma_start3A_654 = tpu.memref_squeeze %dma_start3A_653 : memref<1x128x64xf32, #tpu.memory_space<vmem>> -> memref<128x64xf32, #tpu.memory_space<vmem>>
      %dma_start3A_655 = arith.constant 0 : i32
      %dma_start3A_656 = tpu.memref_slice %arg4[%add3A_643, %dma_start3A_655] : memref<204800x64xf32, #tpu.memory_space<hbm>> -> memref<128x64xf32, #tpu.memory_space<hbm>>
      %dma_start3A_657 = arith.constant 0 : i32
      %dma_start3A_658 = tpu.memref_slice %arg4[%add3A_643, %dma_start3A_657] : memref<204800x64xf32, #tpu.memory_space<hbm>> -> memref<128x64xf32, #tpu.memory_space<hbm>>
      %dma_start3A_659 = arith.constant 0 : i32
      %dma_start3A_660 = arith.constant 0 : i32
      %dma_start3A_661 = arith.constant 0 : i32
      %dma_start3A_662 = tpu.memref_slice %arg6[%dma_start3A_644, %dma_start3A_659, %dma_start3A_660, %dma_start3A_661] : memref<2x5x128x64xf32, #tpu.memory_space<vmem>> -> memref<1x5x128x64xf32, #tpu.memory_space<vmem>>
      %dma_start3A_663 = tpu.memref_squeeze %dma_start3A_662 : memref<1x5x128x64xf32, #tpu.memory_space<vmem>> -> memref<5x128x64xf32, #tpu.memory_space<vmem>>
      %dma_start3A_664 = arith.constant 0 : i32
      %dma_start3A_665 = arith.constant 0 : i32
      %dma_start3A_666 = tpu.memref_slice %dma_start3A_663[%dma_start3A_645, %dma_start3A_664, %dma_start3A_665] : memref<5x128x64xf32, #tpu.memory_space<vmem>> -> memref<1x128x64xf32, #tpu.memory_space<vmem>>
      %dma_start3A_667 = tpu.memref_squeeze %dma_start3A_666 : memref<1x128x64xf32, #tpu.memory_space<vmem>> -> memref<128x64xf32, #tpu.memory_space<vmem>>
      tpu.enqueue_dma source(%dma_start3A_667 : memref<128x64xf32, #tpu.memory_space<vmem>>) target(%dma_start3A_658 : memref<128x64xf32, #tpu.memory_space<hbm>>) target_semaphore(%arg9 : memref<!tpu.dma_semaphore, #tpu.memory_space<semaphore_mem>>)
      %mul3A_668 = arith.constant 5 : i32
      %mul3A_669 = arith.muli %mul3A_358, %mul3A_668 : i32
      %add3A_670 = arith.constant 3 : i32
      %add3A_671 = arith.addi %mul3A_669, %add3A_670 : i32
      %mul3A_672 = arith.constant 128 : i32
      %mul3A_673 = arith.muli %add3A_671, %mul3A_672 : i32
      %add3A_674 = arith.addi %mul3A_2, %mul3A_673 : i32
      %dma_start3A_675 = arith.constant 0 : i32
      %dma_start3A_676 = arith.constant 3 : i32
      %dma_start3A_677 = arith.constant 0 : i32
      %dma_start3A_678 = arith.constant 0 : i32
      %dma_start3A_679 = arith.constant 0 : i32
      %dma_start3A_680 = tpu.memref_slice %arg6[%dma_start3A_675, %dma_start3A_677, %dma_start3A_678, %dma_start3A_679] : memref<2x5x128x64xf32, #tpu.memory_space<vmem>> -> memref<1x5x128x64xf32, #tpu.memory_space<vmem>>
      %dma_start3A_681 = tpu.memref_squeeze %dma_start3A_680 : memref<1x5x128x64xf32, #tpu.memory_space<vmem>> -> memref<5x128x64xf32, #tpu.memory_space<vmem>>
      %dma_start3A_682 = arith.constant 0 : i32
      %dma_start3A_683 = arith.constant 0 : i32
      %dma_start3A_684 = tpu.memref_slice %dma_start3A_681[%dma_start3A_676, %dma_start3A_682, %dma_start3A_683] : memref<5x128x64xf32, #tpu.memory_space<vmem>> -> memref<1x128x64xf32, #tpu.memory_space<vmem>>
      %dma_start3A_685 = tpu.memref_squeeze %dma_start3A_684 : memref<1x128x64xf32, #tpu.memory_space<vmem>> -> memref<128x64xf32, #tpu.memory_space<vmem>>
      %dma_start3A_686 = arith.constant 0 : i32
      %dma_start3A_687 = tpu.memref_slice %arg4[%add3A_674, %dma_start3A_686] : memref<204800x64xf32, #tpu.memory_space<hbm>> -> memref<128x64xf32, #tpu.memory_space<hbm>>
      %dma_start3A_688 = arith.constant 0 : i32
      %dma_start3A_689 = tpu.memref_slice %arg4[%add3A_674, %dma_start3A_688] : memref<204800x64xf32, #tpu.memory_space<hbm>> -> memref<128x64xf32, #tpu.memory_space<hbm>>
      %dma_start3A_690 = arith.constant 0 : i32
      %dma_start3A_691 = arith.constant 0 : i32
      %dma_start3A_692 = arith.constant 0 : i32
      %dma_start3A_693 = tpu.memref_slice %arg6[%dma_start3A_675, %dma_start3A_690, %dma_start3A_691, %dma_start3A_692] : memref<2x5x128x64xf32, #tpu.memory_space<vmem>> -> memref<1x5x128x64xf32, #tpu.memory_space<vmem>>
      %dma_start3A_694 = tpu.memref_squeeze %dma_start3A_693 : memref<1x5x128x64xf32, #tpu.memory_space<vmem>> -> memref<5x128x64xf32, #tpu.memory_space<vmem>>
      %dma_start3A_695 = arith.constant 0 : i32
      %dma_start3A_696 = arith.constant 0 : i32
      %dma_start3A_697 = tpu.memref_slice %dma_start3A_694[%dma_start3A_676, %dma_start3A_695, %dma_start3A_696] : memref<5x128x64xf32, #tpu.memory_space<vmem>> -> memref<1x128x64xf32, #tpu.memory_space<vmem>>
      %dma_start3A_698 = tpu.memref_squeeze %dma_start3A_697 : memref<1x128x64xf32, #tpu.memory_space<vmem>> -> memref<128x64xf32, #tpu.memory_space<vmem>>
      tpu.enqueue_dma source(%dma_start3A_698 : memref<128x64xf32, #tpu.memory_space<vmem>>) target(%dma_start3A_689 : memref<128x64xf32, #tpu.memory_space<hbm>>) target_semaphore(%arg9 : memref<!tpu.dma_semaphore, #tpu.memory_space<semaphore_mem>>)
      %mul3A_699 = arith.constant 5 : i32
      %mul3A_700 = arith.muli %mul3A_358, %mul3A_699 : i32
      %add3A_701 = arith.constant 4 : i32
      %add3A_702 = arith.addi %mul3A_700, %add3A_701 : i32
      %mul3A_703 = arith.constant 128 : i32
      %mul3A_704 = arith.muli %add3A_702, %mul3A_703 : i32
      %add3A_705 = arith.addi %mul3A_2, %mul3A_704 : i32
      %dma_start3A_706 = arith.constant 0 : i32
      %dma_start3A_707 = arith.constant 4 : i32
      %dma_start3A_708 = arith.constant 0 : i32
      %dma_start3A_709 = arith.constant 0 : i32
      %dma_start3A_710 = arith.constant 0 : i32
      %dma_start3A_711 = tpu.memref_slice %arg6[%dma_start3A_706, %dma_start3A_708, %dma_start3A_709, %dma_start3A_710] : memref<2x5x128x64xf32, #tpu.memory_space<vmem>> -> memref<1x5x128x64xf32, #tpu.memory_space<vmem>>
      %dma_start3A_712 = tpu.memref_squeeze %dma_start3A_711 : memref<1x5x128x64xf32, #tpu.memory_space<vmem>> -> memref<5x128x64xf32, #tpu.memory_space<vmem>>
      %dma_start3A_713 = arith.constant 0 : i32
      %dma_start3A_714 = arith.constant 0 : i32
      %dma_start3A_715 = tpu.memref_slice %dma_start3A_712[%dma_start3A_707, %dma_start3A_713, %dma_start3A_714] : memref<5x128x64xf32, #tpu.memory_space<vmem>> -> memref<1x128x64xf32, #tpu.memory_space<vmem>>
      %dma_start3A_716 = tpu.memref_squeeze %dma_start3A_715 : memref<1x128x64xf32, #tpu.memory_space<vmem>> -> memref<128x64xf32, #tpu.memory_space<vmem>>
      %dma_start3A_717 = arith.constant 0 : i32
      %dma_start3A_718 = tpu.memref_slice %arg4[%add3A_705, %dma_start3A_717] : memref<204800x64xf32, #tpu.memory_space<hbm>> -> memref<128x64xf32, #tpu.memory_space<hbm>>
      %dma_start3A_719 = arith.constant 0 : i32
      %dma_start3A_720 = tpu.memref_slice %arg4[%add3A_705, %dma_start3A_719] : memref<204800x64xf32, #tpu.memory_space<hbm>> -> memref<128x64xf32, #tpu.memory_space<hbm>>
      %dma_start3A_721 = arith.constant 0 : i32
      %dma_start3A_722 = arith.constant 0 : i32
      %dma_start3A_723 = arith.constant 0 : i32
      %dma_start3A_724 = tpu.memref_slice %arg6[%dma_start3A_706, %dma_start3A_721, %dma_start3A_722, %dma_start3A_723] : memref<2x5x128x64xf32, #tpu.memory_space<vmem>> -> memref<1x5x128x64xf32, #tpu.memory_space<vmem>>
      %dma_start3A_725 = tpu.memref_squeeze %dma_start3A_724 : memref<1x5x128x64xf32, #tpu.memory_space<vmem>> -> memref<5x128x64xf32, #tpu.memory_space<vmem>>
      %dma_start3A_726 = arith.constant 0 : i32
      %dma_start3A_727 = arith.constant 0 : i32
      %dma_start3A_728 = tpu.memref_slice %dma_start3A_725[%dma_start3A_707, %dma_start3A_726, %dma_start3A_727] : memref<5x128x64xf32, #tpu.memory_space<vmem>> -> memref<1x128x64xf32, #tpu.memory_space<vmem>>
      %dma_start3A_729 = tpu.memref_squeeze %dma_start3A_728 : memref<1x128x64xf32, #tpu.memory_space<vmem>> -> memref<128x64xf32, #tpu.memory_space<vmem>>
      tpu.enqueue_dma source(%dma_start3A_729 : memref<128x64xf32, #tpu.memory_space<vmem>>) target(%dma_start3A_720 : memref<128x64xf32, #tpu.memory_space<hbm>>) target_semaphore(%arg9 : memref<!tpu.dma_semaphore, #tpu.memory_space<semaphore_mem>>)
      %add3A_730 = arith.constant 1 : i32
      %add3A_731 = arith.addi %add3A_362, %add3A_730 : i32
      %lt3A = arith.constant 10 : i32
      %lt3A_732 = arith.cmpi slt, %add3A_731, %lt3A : i32
      %convert_element_type3A_733 = arith.extui %lt3A_732 : i1 to i32
      %cond3A_734 = arith.constant 0 : i32
      %cond3A_735 = arith.cmpi ne, %convert_element_type3A_733, %cond3A_734 : i32
      scf.if %cond3A_735 {
        %mul3A_996 = arith.constant 5 : i32
        %mul3A_997 = arith.muli %mul3A_358, %mul3A_996 : i32
        %add3A_998 = arith.constant 0 : i32
        %add3A_999 = arith.addi %mul3A_997, %add3A_998 : i32
        %mul3A_1000 = arith.constant 128 : i32
        %mul3A_1001 = arith.muli %add3A_999, %mul3A_1000 : i32
        %add3A_1002 = arith.addi %mul3A_2, %mul3A_1001 : i32
        %dma_wait3A_1003 = arith.constant 0 : i32
        %dma_wait3A_1004 = arith.constant 0 : i32
        %dma_wait3A_1005 = arith.constant 0 : i32
        %dma_wait3A_1006 = arith.constant 0 : i32
        %dma_wait3A_1007 = arith.constant 0 : i32
        %dma_wait3A_1008 = tpu.memref_slice %arg6[%dma_wait3A_1003, %dma_wait3A_1005, %dma_wait3A_1006, %dma_wait3A_1007] : memref<2x5x128x64xf32, #tpu.memory_space<vmem>> -> memref<1x5x128x64xf32, #tpu.memory_space<vmem>>
        %dma_wait3A_1009 = tpu.memref_squeeze %dma_wait3A_1008 : memref<1x5x128x64xf32, #tpu.memory_space<vmem>> -> memref<5x128x64xf32, #tpu.memory_space<vmem>>
        %dma_wait3A_1010 = arith.constant 0 : i32
        %dma_wait3A_1011 = arith.constant 0 : i32
        %dma_wait3A_1012 = tpu.memref_slice %dma_wait3A_1009[%dma_wait3A_1004, %dma_wait3A_1010, %dma_wait3A_1011] : memref<5x128x64xf32, #tpu.memory_space<vmem>> -> memref<1x128x64xf32, #tpu.memory_space<vmem>>
        %dma_wait3A_1013 = tpu.memref_squeeze %dma_wait3A_1012 : memref<1x128x64xf32, #tpu.memory_space<vmem>> -> memref<128x64xf32, #tpu.memory_space<vmem>>
        %dma_wait3A_1014 = arith.constant 0 : i32
        %dma_wait3A_1015 = tpu.memref_slice %arg4[%add3A_1002, %dma_wait3A_1014] : memref<204800x64xf32, #tpu.memory_space<hbm>> -> memref<128x64xf32, #tpu.memory_space<hbm>>
        %dma_wait3A_1016 = arith.constant 0 : i32
        %dma_wait3A_1017 = tpu.memref_slice %arg4[%add3A_1002, %dma_wait3A_1016] : memref<204800x64xf32, #tpu.memory_space<hbm>> -> memref<128x64xf32, #tpu.memory_space<hbm>>
        %dma_wait3A_1018 = arith.constant 0 : i32
        %dma_wait3A_1019 = arith.constant 0 : i32
        %dma_wait3A_1020 = arith.constant 0 : i32
        %dma_wait3A_1021 = tpu.memref_slice %arg6[%dma_wait3A_1003, %dma_wait3A_1018, %dma_wait3A_1019, %dma_wait3A_1020] : memref<2x5x128x64xf32, #tpu.memory_space<vmem>> -> memref<1x5x128x64xf32, #tpu.memory_space<vmem>>
        %dma_wait3A_1022 = tpu.memref_squeeze %dma_wait3A_1021 : memref<1x5x128x64xf32, #tpu.memory_space<vmem>> -> memref<5x128x64xf32, #tpu.memory_space<vmem>>
        %dma_wait3A_1023 = arith.constant 0 : i32
        %dma_wait3A_1024 = arith.constant 0 : i32
        %dma_wait3A_1025 = tpu.memref_slice %dma_wait3A_1022[%dma_wait3A_1004, %dma_wait3A_1023, %dma_wait3A_1024] : memref<5x128x64xf32, #tpu.memory_space<vmem>> -> memref<1x128x64xf32, #tpu.memory_space<vmem>>
        %dma_wait3A_1026 = tpu.memref_squeeze %dma_wait3A_1025 : memref<1x128x64xf32, #tpu.memory_space<vmem>> -> memref<128x64xf32, #tpu.memory_space<vmem>>
        tpu.wait_dma2 semaphore(%arg9 : memref<!tpu.dma_semaphore, #tpu.memory_space<semaphore_mem>>) src(%dma_wait3A_1026 : memref<128x64xf32, #tpu.memory_space<vmem>>) dst(%dma_wait3A_1017 : memref<128x64xf32, #tpu.memory_space<hbm>>)
        %mul3A_1027 = arith.constant 5 : i32
        %mul3A_1028 = arith.muli %mul3A_358, %mul3A_1027 : i32
        %add3A_1029 = arith.constant 1 : i32
        %add3A_1030 = arith.addi %mul3A_1028, %add3A_1029 : i32
        %mul3A_1031 = arith.constant 128 : i32
        %mul3A_1032 = arith.muli %add3A_1030, %mul3A_1031 : i32
        %add3A_1033 = arith.addi %mul3A_2, %mul3A_1032 : i32
        %dma_wait3A_1034 = arith.constant 0 : i32
        %dma_wait3A_1035 = arith.constant 1 : i32
        %dma_wait3A_1036 = arith.constant 0 : i32
        %dma_wait3A_1037 = arith.constant 0 : i32
        %dma_wait3A_1038 = arith.constant 0 : i32
        %dma_wait3A_1039 = tpu.memref_slice %arg6[%dma_wait3A_1034, %dma_wait3A_1036, %dma_wait3A_1037, %dma_wait3A_1038] : memref<2x5x128x64xf32, #tpu.memory_space<vmem>> -> memref<1x5x128x64xf32, #tpu.memory_space<vmem>>
        %dma_wait3A_1040 = tpu.memref_squeeze %dma_wait3A_1039 : memref<1x5x128x64xf32, #tpu.memory_space<vmem>> -> memref<5x128x64xf32, #tpu.memory_space<vmem>>
        %dma_wait3A_1041 = arith.constant 0 : i32
        %dma_wait3A_1042 = arith.constant 0 : i32
        %dma_wait3A_1043 = tpu.memref_slice %dma_wait3A_1040[%dma_wait3A_1035, %dma_wait3A_1041, %dma_wait3A_1042] : memref<5x128x64xf32, #tpu.memory_space<vmem>> -> memref<1x128x64xf32, #tpu.memory_space<vmem>>
        %dma_wait3A_1044 = tpu.memref_squeeze %dma_wait3A_1043 : memref<1x128x64xf32, #tpu.memory_space<vmem>> -> memref<128x64xf32, #tpu.memory_space<vmem>>
        %dma_wait3A_1045 = arith.constant 0 : i32
        %dma_wait3A_1046 = tpu.memref_slice %arg4[%add3A_1033, %dma_wait3A_1045] : memref<204800x64xf32, #tpu.memory_space<hbm>> -> memref<128x64xf32, #tpu.memory_space<hbm>>
        %dma_wait3A_1047 = arith.constant 0 : i32
        %dma_wait3A_1048 = tpu.memref_slice %arg4[%add3A_1033, %dma_wait3A_1047] : memref<204800x64xf32, #tpu.memory_space<hbm>> -> memref<128x64xf32, #tpu.memory_space<hbm>>
        %dma_wait3A_1049 = arith.constant 0 : i32
        %dma_wait3A_1050 = arith.constant 0 : i32
        %dma_wait3A_1051 = arith.constant 0 : i32
        %dma_wait3A_1052 = tpu.memref_slice %arg6[%dma_wait3A_1034, %dma_wait3A_1049, %dma_wait3A_1050, %dma_wait3A_1051] : memref<2x5x128x64xf32, #tpu.memory_space<vmem>> -> memref<1x5x128x64xf32, #tpu.memory_space<vmem>>
        %dma_wait3A_1053 = tpu.memref_squeeze %dma_wait3A_1052 : memref<1x5x128x64xf32, #tpu.memory_space<vmem>> -> memref<5x128x64xf32, #tpu.memory_space<vmem>>
        %dma_wait3A_1054 = arith.constant 0 : i32
        %dma_wait3A_1055 = arith.constant 0 : i32
        %dma_wait3A_1056 = tpu.memref_slice %dma_wait3A_1053[%dma_wait3A_1035, %dma_wait3A_1054, %dma_wait3A_1055] : memref<5x128x64xf32, #tpu.memory_space<vmem>> -> memref<1x128x64xf32, #tpu.memory_space<vmem>>
        %dma_wait3A_1057 = tpu.memref_squeeze %dma_wait3A_1056 : memref<1x128x64xf32, #tpu.memory_space<vmem>> -> memref<128x64xf32, #tpu.memory_space<vmem>>
        tpu.wait_dma2 semaphore(%arg9 : memref<!tpu.dma_semaphore, #tpu.memory_space<semaphore_mem>>) src(%dma_wait3A_1057 : memref<128x64xf32, #tpu.memory_space<vmem>>) dst(%dma_wait3A_1048 : memref<128x64xf32, #tpu.memory_space<hbm>>)
        %mul3A_1058 = arith.constant 5 : i32
        %mul3A_1059 = arith.muli %mul3A_358, %mul3A_1058 : i32
        %add3A_1060 = arith.constant 2 : i32
        %add3A_1061 = arith.addi %mul3A_1059, %add3A_1060 : i32
        %mul3A_1062 = arith.constant 128 : i32
        %mul3A_1063 = arith.muli %add3A_1061, %mul3A_1062 : i32
        %add3A_1064 = arith.addi %mul3A_2, %mul3A_1063 : i32
        %dma_wait3A_1065 = arith.constant 0 : i32
        %dma_wait3A_1066 = arith.constant 2 : i32
        %dma_wait3A_1067 = arith.constant 0 : i32
        %dma_wait3A_1068 = arith.constant 0 : i32
        %dma_wait3A_1069 = arith.constant 0 : i32
        %dma_wait3A_1070 = tpu.memref_slice %arg6[%dma_wait3A_1065, %dma_wait3A_1067, %dma_wait3A_1068, %dma_wait3A_1069] : memref<2x5x128x64xf32, #tpu.memory_space<vmem>> -> memref<1x5x128x64xf32, #tpu.memory_space<vmem>>
        %dma_wait3A_1071 = tpu.memref_squeeze %dma_wait3A_1070 : memref<1x5x128x64xf32, #tpu.memory_space<vmem>> -> memref<5x128x64xf32, #tpu.memory_space<vmem>>
        %dma_wait3A_1072 = arith.constant 0 : i32
        %dma_wait3A_1073 = arith.constant 0 : i32
        %dma_wait3A_1074 = tpu.memref_slice %dma_wait3A_1071[%dma_wait3A_1066, %dma_wait3A_1072, %dma_wait3A_1073] : memref<5x128x64xf32, #tpu.memory_space<vmem>> -> memref<1x128x64xf32, #tpu.memory_space<vmem>>
        %dma_wait3A_1075 = tpu.memref_squeeze %dma_wait3A_1074 : memref<1x128x64xf32, #tpu.memory_space<vmem>> -> memref<128x64xf32, #tpu.memory_space<vmem>>
        %dma_wait3A_1076 = arith.constant 0 : i32
        %dma_wait3A_1077 = tpu.memref_slice %arg4[%add3A_1064, %dma_wait3A_1076] : memref<204800x64xf32, #tpu.memory_space<hbm>> -> memref<128x64xf32, #tpu.memory_space<hbm>>
        %dma_wait3A_1078 = arith.constant 0 : i32
        %dma_wait3A_1079 = tpu.memref_slice %arg4[%add3A_1064, %dma_wait3A_1078] : memref<204800x64xf32, #tpu.memory_space<hbm>> -> memref<128x64xf32, #tpu.memory_space<hbm>>
        %dma_wait3A_1080 = arith.constant 0 : i32
        %dma_wait3A_1081 = arith.constant 0 : i32
        %dma_wait3A_1082 = arith.constant 0 : i32
        %dma_wait3A_1083 = tpu.memref_slice %arg6[%dma_wait3A_1065, %dma_wait3A_1080, %dma_wait3A_1081, %dma_wait3A_1082] : memref<2x5x128x64xf32, #tpu.memory_space<vmem>> -> memref<1x5x128x64xf32, #tpu.memory_space<vmem>>
        %dma_wait3A_1084 = tpu.memref_squeeze %dma_wait3A_1083 : memref<1x5x128x64xf32, #tpu.memory_space<vmem>> -> memref<5x128x64xf32, #tpu.memory_space<vmem>>
        %dma_wait3A_1085 = arith.constant 0 : i32
        %dma_wait3A_1086 = arith.constant 0 : i32
        %dma_wait3A_1087 = tpu.memref_slice %dma_wait3A_1084[%dma_wait3A_1066, %dma_wait3A_1085, %dma_wait3A_1086] : memref<5x128x64xf32, #tpu.memory_space<vmem>> -> memref<1x128x64xf32, #tpu.memory_space<vmem>>
        %dma_wait3A_1088 = tpu.memref_squeeze %dma_wait3A_1087 : memref<1x128x64xf32, #tpu.memory_space<vmem>> -> memref<128x64xf32, #tpu.memory_space<vmem>>
        tpu.wait_dma2 semaphore(%arg9 : memref<!tpu.dma_semaphore, #tpu.memory_space<semaphore_mem>>) src(%dma_wait3A_1088 : memref<128x64xf32, #tpu.memory_space<vmem>>) dst(%dma_wait3A_1079 : memref<128x64xf32, #tpu.memory_space<hbm>>)
        %mul3A_1089 = arith.constant 5 : i32
        %mul3A_1090 = arith.muli %mul3A_358, %mul3A_1089 : i32
        %add3A_1091 = arith.constant 3 : i32
        %add3A_1092 = arith.addi %mul3A_1090, %add3A_1091 : i32
        %mul3A_1093 = arith.constant 128 : i32
        %mul3A_1094 = arith.muli %add3A_1092, %mul3A_1093 : i32
        %add3A_1095 = arith.addi %mul3A_2, %mul3A_1094 : i32
        %dma_wait3A_1096 = arith.constant 0 : i32
        %dma_wait3A_1097 = arith.constant 3 : i32
        %dma_wait3A_1098 = arith.constant 0 : i32
        %dma_wait3A_1099 = arith.constant 0 : i32
        %dma_wait3A_1100 = arith.constant 0 : i32
        %dma_wait3A_1101 = tpu.memref_slice %arg6[%dma_wait3A_1096, %dma_wait3A_1098, %dma_wait3A_1099, %dma_wait3A_1100] : memref<2x5x128x64xf32, #tpu.memory_space<vmem>> -> memref<1x5x128x64xf32, #tpu.memory_space<vmem>>
        %dma_wait3A_1102 = tpu.memref_squeeze %dma_wait3A_1101 : memref<1x5x128x64xf32, #tpu.memory_space<vmem>> -> memref<5x128x64xf32, #tpu.memory_space<vmem>>
        %dma_wait3A_1103 = arith.constant 0 : i32
        %dma_wait3A_1104 = arith.constant 0 : i32
        %dma_wait3A_1105 = tpu.memref_slice %dma_wait3A_1102[%dma_wait3A_1097, %dma_wait3A_1103, %dma_wait3A_1104] : memref<5x128x64xf32, #tpu.memory_space<vmem>> -> memref<1x128x64xf32, #tpu.memory_space<vmem>>
        %dma_wait3A_1106 = tpu.memref_squeeze %dma_wait3A_1105 : memref<1x128x64xf32, #tpu.memory_space<vmem>> -> memref<128x64xf32, #tpu.memory_space<vmem>>
        %dma_wait3A_1107 = arith.constant 0 : i32
        %dma_wait3A_1108 = tpu.memref_slice %arg4[%add3A_1095, %dma_wait3A_1107] : memref<204800x64xf32, #tpu.memory_space<hbm>> -> memref<128x64xf32, #tpu.memory_space<hbm>>
        %dma_wait3A_1109 = arith.constant 0 : i32
        %dma_wait3A_1110 = tpu.memref_slice %arg4[%add3A_1095, %dma_wait3A_1109] : memref<204800x64xf32, #tpu.memory_space<hbm>> -> memref<128x64xf32, #tpu.memory_space<hbm>>
        %dma_wait3A_1111 = arith.constant 0 : i32
        %dma_wait3A_1112 = arith.constant 0 : i32
        %dma_wait3A_1113 = arith.constant 0 : i32
        %dma_wait3A_1114 = tpu.memref_slice %arg6[%dma_wait3A_1096, %dma_wait3A_1111, %dma_wait3A_1112, %dma_wait3A_1113] : memref<2x5x128x64xf32, #tpu.memory_space<vmem>> -> memref<1x5x128x64xf32, #tpu.memory_space<vmem>>
        %dma_wait3A_1115 = tpu.memref_squeeze %dma_wait3A_1114 : memref<1x5x128x64xf32, #tpu.memory_space<vmem>> -> memref<5x128x64xf32, #tpu.memory_space<vmem>>
        %dma_wait3A_1116 = arith.constant 0 : i32
        %dma_wait3A_1117 = arith.constant 0 : i32
        %dma_wait3A_1118 = tpu.memref_slice %dma_wait3A_1115[%dma_wait3A_1097, %dma_wait3A_1116, %dma_wait3A_1117] : memref<5x128x64xf32, #tpu.memory_space<vmem>> -> memref<1x128x64xf32, #tpu.memory_space<vmem>>
        %dma_wait3A_1119 = tpu.memref_squeeze %dma_wait3A_1118 : memref<1x128x64xf32, #tpu.memory_space<vmem>> -> memref<128x64xf32, #tpu.memory_space<vmem>>
        tpu.wait_dma2 semaphore(%arg9 : memref<!tpu.dma_semaphore, #tpu.memory_space<semaphore_mem>>) src(%dma_wait3A_1119 : memref<128x64xf32, #tpu.memory_space<vmem>>) dst(%dma_wait3A_1110 : memref<128x64xf32, #tpu.memory_space<hbm>>)
        %mul3A_1120 = arith.constant 5 : i32
        %mul3A_1121 = arith.muli %mul3A_358, %mul3A_1120 : i32
        %add3A_1122 = arith.constant 4 : i32
        %add3A_1123 = arith.addi %mul3A_1121, %add3A_1122 : i32
        %mul3A_1124 = arith.constant 128 : i32
        %mul3A_1125 = arith.muli %add3A_1123, %mul3A_1124 : i32
        %add3A_1126 = arith.addi %mul3A_2, %mul3A_1125 : i32
        %dma_wait3A_1127 = arith.constant 0 : i32
        %dma_wait3A_1128 = arith.constant 4 : i32
        %dma_wait3A_1129 = arith.constant 0 : i32
        %dma_wait3A_1130 = arith.constant 0 : i32
        %dma_wait3A_1131 = arith.constant 0 : i32
        %dma_wait3A_1132 = tpu.memref_slice %arg6[%dma_wait3A_1127, %dma_wait3A_1129, %dma_wait3A_1130, %dma_wait3A_1131] : memref<2x5x128x64xf32, #tpu.memory_space<vmem>> -> memref<1x5x128x64xf32, #tpu.memory_space<vmem>>
        %dma_wait3A_1133 = tpu.memref_squeeze %dma_wait3A_1132 : memref<1x5x128x64xf32, #tpu.memory_space<vmem>> -> memref<5x128x64xf32, #tpu.memory_space<vmem>>
        %dma_wait3A_1134 = arith.constant 0 : i32
        %dma_wait3A_1135 = arith.constant 0 : i32
        %dma_wait3A_1136 = tpu.memref_slice %dma_wait3A_1133[%dma_wait3A_1128, %dma_wait3A_1134, %dma_wait3A_1135] : memref<5x128x64xf32, #tpu.memory_space<vmem>> -> memref<1x128x64xf32, #tpu.memory_space<vmem>>
        %dma_wait3A_1137 = tpu.memref_squeeze %dma_wait3A_1136 : memref<1x128x64xf32, #tpu.memory_space<vmem>> -> memref<128x64xf32, #tpu.memory_space<vmem>>
        %dma_wait3A_1138 = arith.constant 0 : i32
        %dma_wait3A_1139 = tpu.memref_slice %arg4[%add3A_1126, %dma_wait3A_1138] : memref<204800x64xf32, #tpu.memory_space<hbm>> -> memref<128x64xf32, #tpu.memory_space<hbm>>
        %dma_wait3A_1140 = arith.constant 0 : i32
        %dma_wait3A_1141 = tpu.memref_slice %arg4[%add3A_1126, %dma_wait3A_1140] : memref<204800x64xf32, #tpu.memory_space<hbm>> -> memref<128x64xf32, #tpu.memory_space<hbm>>
        %dma_wait3A_1142 = arith.constant 0 : i32
        %dma_wait3A_1143 = arith.constant 0 : i32
        %dma_wait3A_1144 = arith.constant 0 : i32
        %dma_wait3A_1145 = tpu.memref_slice %arg6[%dma_wait3A_1127, %dma_wait3A_1142, %dma_wait3A_1143, %dma_wait3A_1144] : memref<2x5x128x64xf32, #tpu.memory_space<vmem>> -> memref<1x5x128x64xf32, #tpu.memory_space<vmem>>
        %dma_wait3A_1146 = tpu.memref_squeeze %dma_wait3A_1145 : memref<1x5x128x64xf32, #tpu.memory_space<vmem>> -> memref<5x128x64xf32, #tpu.memory_space<vmem>>
        %dma_wait3A_1147 = arith.constant 0 : i32
        %dma_wait3A_1148 = arith.constant 0 : i32
        %dma_wait3A_1149 = tpu.memref_slice %dma_wait3A_1146[%dma_wait3A_1128, %dma_wait3A_1147, %dma_wait3A_1148] : memref<5x128x64xf32, #tpu.memory_space<vmem>> -> memref<1x128x64xf32, #tpu.memory_space<vmem>>
        %dma_wait3A_1150 = tpu.memref_squeeze %dma_wait3A_1149 : memref<1x128x64xf32, #tpu.memory_space<vmem>> -> memref<128x64xf32, #tpu.memory_space<vmem>>
        tpu.wait_dma2 semaphore(%arg9 : memref<!tpu.dma_semaphore, #tpu.memory_space<semaphore_mem>>) src(%dma_wait3A_1150 : memref<128x64xf32, #tpu.memory_space<vmem>>) dst(%dma_wait3A_1141 : memref<128x64xf32, #tpu.memory_space<hbm>>)
        %add3A_1151 = arith.constant 1 : i32
        %add3A_1152 = arith.addi %add3A_362, %add3A_1151 : i32
        %mul3A_1153 = arith.constant 5 : i32
        %mul3A_1154 = arith.muli %add3A_1152, %mul3A_1153 : i32
        %add3A_1155 = arith.constant 0 : i32
        %add3A_1156 = arith.addi %mul3A_1154, %add3A_1155 : i32
        %dma_start3A_1157 = arith.constant 0 : i32
        %dma_start3A_1158 = arith.constant 0 : i32
        %dma_start3A_1159 = arith.constant 0 : i32
        %dma_start3A_1160 = arith.constant 0 : i32
        %dma_start3A_1161 = arith.constant 0 : i32
        %dma_start3A_1162 = tpu.memref_slice %arg6[%dma_start3A_1157, %dma_start3A_1159, %dma_start3A_1160, %dma_start3A_1161] : memref<2x5x128x64xf32, #tpu.memory_space<vmem>> -> memref<1x5x128x64xf32, #tpu.memory_space<vmem>>
        %dma_start3A_1163 = tpu.memref_squeeze %dma_start3A_1162 : memref<1x5x128x64xf32, #tpu.memory_space<vmem>> -> memref<5x128x64xf32, #tpu.memory_space<vmem>>
        %dma_start3A_1164 = arith.constant 0 : i32
        %dma_start3A_1165 = arith.constant 0 : i32
        %dma_start3A_1166 = tpu.memref_slice %dma_start3A_1163[%dma_start3A_1158, %dma_start3A_1164, %dma_start3A_1165] : memref<5x128x64xf32, #tpu.memory_space<vmem>> -> memref<1x128x64xf32, #tpu.memory_space<vmem>>
        %dma_start3A_1167 = tpu.memref_squeeze %dma_start3A_1166 : memref<1x128x64xf32, #tpu.memory_space<vmem>> -> memref<128x64xf32, #tpu.memory_space<vmem>>
        %dma_start3A_1168 = arith.constant 0 : i32
        %dma_start3A_1169 = tpu.memref_slice %arg5[%add3A_1156, %dma_start3A_1168] : memref<50x128xi32, #tpu.memory_space<vmem>> -> memref<1x128xi32, #tpu.memory_space<vmem>>
        %dma_start3A_1170 = tpu.memref_squeeze %dma_start3A_1169 : memref<1x128xi32, #tpu.memory_space<vmem>> -> memref<128xi32, #tpu.memory_space<vmem>>
        %dma_start3A_1171 = arith.constant 0 : i32
        %dma_start3A_1172 = arith.constant 0 : i32
        %dma_start3A_1173 = tpu.memref_slice %arg3[%dma_start3A_1171, %dma_start3A_1172] : memref<100000x64xf32, #tpu.memory_space<hbm>> -> memref<100000x64xf32, #tpu.memory_space<hbm>>
        tpu.enqueue_indirect_dma source(%dma_start3A_1173 : memref<100000x64xf32, #tpu.memory_space<hbm>>) target(%dma_start3A_1167 : memref<128x64xf32, #tpu.memory_space<vmem>>) offsets(%dma_start3A_1170 : memref<128xi32, #tpu.memory_space<vmem>>) semaphore(%arg7 : memref<!tpu.dma_semaphore, #tpu.memory_space<semaphore_mem>>)
        %mul3A_1174 = arith.constant 5 : i32
        %mul3A_1175 = arith.muli %add3A_1152, %mul3A_1174 : i32
        %add3A_1176 = arith.constant 1 : i32
        %add3A_1177 = arith.addi %mul3A_1175, %add3A_1176 : i32
        %dma_start3A_1178 = arith.constant 0 : i32
        %dma_start3A_1179 = arith.constant 1 : i32
        %dma_start3A_1180 = arith.constant 0 : i32
        %dma_start3A_1181 = arith.constant 0 : i32
        %dma_start3A_1182 = arith.constant 0 : i32
        %dma_start3A_1183 = tpu.memref_slice %arg6[%dma_start3A_1178, %dma_start3A_1180, %dma_start3A_1181, %dma_start3A_1182] : memref<2x5x128x64xf32, #tpu.memory_space<vmem>> -> memref<1x5x128x64xf32, #tpu.memory_space<vmem>>
        %dma_start3A_1184 = tpu.memref_squeeze %dma_start3A_1183 : memref<1x5x128x64xf32, #tpu.memory_space<vmem>> -> memref<5x128x64xf32, #tpu.memory_space<vmem>>
        %dma_start3A_1185 = arith.constant 0 : i32
        %dma_start3A_1186 = arith.constant 0 : i32
        %dma_start3A_1187 = tpu.memref_slice %dma_start3A_1184[%dma_start3A_1179, %dma_start3A_1185, %dma_start3A_1186] : memref<5x128x64xf32, #tpu.memory_space<vmem>> -> memref<1x128x64xf32, #tpu.memory_space<vmem>>
        %dma_start3A_1188 = tpu.memref_squeeze %dma_start3A_1187 : memref<1x128x64xf32, #tpu.memory_space<vmem>> -> memref<128x64xf32, #tpu.memory_space<vmem>>
        %dma_start3A_1189 = arith.constant 0 : i32
        %dma_start3A_1190 = tpu.memref_slice %arg5[%add3A_1177, %dma_start3A_1189] : memref<50x128xi32, #tpu.memory_space<vmem>> -> memref<1x128xi32, #tpu.memory_space<vmem>>
        %dma_start3A_1191 = tpu.memref_squeeze %dma_start3A_1190 : memref<1x128xi32, #tpu.memory_space<vmem>> -> memref<128xi32, #tpu.memory_space<vmem>>
        %dma_start3A_1192 = arith.constant 0 : i32
        %dma_start3A_1193 = arith.constant 0 : i32
        %dma_start3A_1194 = tpu.memref_slice %arg3[%dma_start3A_1192, %dma_start3A_1193] : memref<100000x64xf32, #tpu.memory_space<hbm>> -> memref<100000x64xf32, #tpu.memory_space<hbm>>
        tpu.enqueue_indirect_dma source(%dma_start3A_1194 : memref<100000x64xf32, #tpu.memory_space<hbm>>) target(%dma_start3A_1188 : memref<128x64xf32, #tpu.memory_space<vmem>>) offsets(%dma_start3A_1191 : memref<128xi32, #tpu.memory_space<vmem>>) semaphore(%arg7 : memref<!tpu.dma_semaphore, #tpu.memory_space<semaphore_mem>>)
        %mul3A_1195 = arith.constant 5 : i32
        %mul3A_1196 = arith.muli %add3A_1152, %mul3A_1195 : i32
        %add3A_1197 = arith.constant 2 : i32
        %add3A_1198 = arith.addi %mul3A_1196, %add3A_1197 : i32
        %dma_start3A_1199 = arith.constant 0 : i32
        %dma_start3A_1200 = arith.constant 2 : i32
        %dma_start3A_1201 = arith.constant 0 : i32
        %dma_start3A_1202 = arith.constant 0 : i32
        %dma_start3A_1203 = arith.constant 0 : i32
        %dma_start3A_1204 = tpu.memref_slice %arg6[%dma_start3A_1199, %dma_start3A_1201, %dma_start3A_1202, %dma_start3A_1203] : memref<2x5x128x64xf32, #tpu.memory_space<vmem>> -> memref<1x5x128x64xf32, #tpu.memory_space<vmem>>
        %dma_start3A_1205 = tpu.memref_squeeze %dma_start3A_1204 : memref<1x5x128x64xf32, #tpu.memory_space<vmem>> -> memref<5x128x64xf32, #tpu.memory_space<vmem>>
        %dma_start3A_1206 = arith.constant 0 : i32
        %dma_start3A_1207 = arith.constant 0 : i32
        %dma_start3A_1208 = tpu.memref_slice %dma_start3A_1205[%dma_start3A_1200, %dma_start3A_1206, %dma_start3A_1207] : memref<5x128x64xf32, #tpu.memory_space<vmem>> -> memref<1x128x64xf32, #tpu.memory_space<vmem>>
        %dma_start3A_1209 = tpu.memref_squeeze %dma_start3A_1208 : memref<1x128x64xf32, #tpu.memory_space<vmem>> -> memref<128x64xf32, #tpu.memory_space<vmem>>
        %dma_start3A_1210 = arith.constant 0 : i32
        %dma_start3A_1211 = tpu.memref_slice %arg5[%add3A_1198, %dma_start3A_1210] : memref<50x128xi32, #tpu.memory_space<vmem>> -> memref<1x128xi32, #tpu.memory_space<vmem>>
        %dma_start3A_1212 = tpu.memref_squeeze %dma_start3A_1211 : memref<1x128xi32, #tpu.memory_space<vmem>> -> memref<128xi32, #tpu.memory_space<vmem>>
        %dma_start3A_1213 = arith.constant 0 : i32
        %dma_start3A_1214 = arith.constant 0 : i32
        %dma_start3A_1215 = tpu.memref_slice %arg3[%dma_start3A_1213, %dma_start3A_1214] : memref<100000x64xf32, #tpu.memory_space<hbm>> -> memref<100000x64xf32, #tpu.memory_space<hbm>>
        tpu.enqueue_indirect_dma source(%dma_start3A_1215 : memref<100000x64xf32, #tpu.memory_space<hbm>>) target(%dma_start3A_1209 : memref<128x64xf32, #tpu.memory_space<vmem>>) offsets(%dma_start3A_1212 : memref<128xi32, #tpu.memory_space<vmem>>) semaphore(%arg7 : memref<!tpu.dma_semaphore, #tpu.memory_space<semaphore_mem>>)
        %mul3A_1216 = arith.constant 5 : i32
        %mul3A_1217 = arith.muli %add3A_1152, %mul3A_1216 : i32
        %add3A_1218 = arith.constant 3 : i32
        %add3A_1219 = arith.addi %mul3A_1217, %add3A_1218 : i32
        %dma_start3A_1220 = arith.constant 0 : i32
        %dma_start3A_1221 = arith.constant 3 : i32
        %dma_start3A_1222 = arith.constant 0 : i32
        %dma_start3A_1223 = arith.constant 0 : i32
        %dma_start3A_1224 = arith.constant 0 : i32
        %dma_start3A_1225 = tpu.memref_slice %arg6[%dma_start3A_1220, %dma_start3A_1222, %dma_start3A_1223, %dma_start3A_1224] : memref<2x5x128x64xf32, #tpu.memory_space<vmem>> -> memref<1x5x128x64xf32, #tpu.memory_space<vmem>>
        %dma_start3A_1226 = tpu.memref_squeeze %dma_start3A_1225 : memref<1x5x128x64xf32, #tpu.memory_space<vmem>> -> memref<5x128x64xf32, #tpu.memory_space<vmem>>
        %dma_start3A_1227 = arith.constant 0 : i32
        %dma_start3A_1228 = arith.constant 0 : i32
        %dma_start3A_1229 = tpu.memref_slice %dma_start3A_1226[%dma_start3A_1221, %dma_start3A_1227, %dma_start3A_1228] : memref<5x128x64xf32, #tpu.memory_space<vmem>> -> memref<1x128x64xf32, #tpu.memory_space<vmem>>
        %dma_start3A_1230 = tpu.memref_squeeze %dma_start3A_1229 : memref<1x128x64xf32, #tpu.memory_space<vmem>> -> memref<128x64xf32, #tpu.memory_space<vmem>>
        %dma_start3A_1231 = arith.constant 0 : i32
        %dma_start3A_1232 = tpu.memref_slice %arg5[%add3A_1219, %dma_start3A_1231] : memref<50x128xi32, #tpu.memory_space<vmem>> -> memref<1x128xi32, #tpu.memory_space<vmem>>
        %dma_start3A_1233 = tpu.memref_squeeze %dma_start3A_1232 : memref<1x128xi32, #tpu.memory_space<vmem>> -> memref<128xi32, #tpu.memory_space<vmem>>
        %dma_start3A_1234 = arith.constant 0 : i32
        %dma_start3A_1235 = arith.constant 0 : i32
        %dma_start3A_1236 = tpu.memref_slice %arg3[%dma_start3A_1234, %dma_start3A_1235] : memref<100000x64xf32, #tpu.memory_space<hbm>> -> memref<100000x64xf32, #tpu.memory_space<hbm>>
        tpu.enqueue_indirect_dma source(%dma_start3A_1236 : memref<100000x64xf32, #tpu.memory_space<hbm>>) target(%dma_start3A_1230 : memref<128x64xf32, #tpu.memory_space<vmem>>) offsets(%dma_start3A_1233 : memref<128xi32, #tpu.memory_space<vmem>>) semaphore(%arg7 : memref<!tpu.dma_semaphore, #tpu.memory_space<semaphore_mem>>)
        %mul3A_1237 = arith.constant 5 : i32
        %mul3A_1238 = arith.muli %add3A_1152, %mul3A_1237 : i32
        %add3A_1239 = arith.constant 4 : i32
        %add3A_1240 = arith.addi %mul3A_1238, %add3A_1239 : i32
        %dma_start3A_1241 = arith.constant 0 : i32
        %dma_start3A_1242 = arith.constant 4 : i32
        %dma_start3A_1243 = arith.constant 0 : i32
        %dma_start3A_1244 = arith.constant 0 : i32
        %dma_start3A_1245 = arith.constant 0 : i32
        %dma_start3A_1246 = tpu.memref_slice %arg6[%dma_start3A_1241, %dma_start3A_1243, %dma_start3A_1244, %dma_start3A_1245] : memref<2x5x128x64xf32, #tpu.memory_space<vmem>> -> memref<1x5x128x64xf32, #tpu.memory_space<vmem>>
        %dma_start3A_1247 = tpu.memref_squeeze %dma_start3A_1246 : memref<1x5x128x64xf32, #tpu.memory_space<vmem>> -> memref<5x128x64xf32, #tpu.memory_space<vmem>>
        %dma_start3A_1248 = arith.constant 0 : i32
        %dma_start3A_1249 = arith.constant 0 : i32
        %dma_start3A_1250 = tpu.memref_slice %dma_start3A_1247[%dma_start3A_1242, %dma_start3A_1248, %dma_start3A_1249] : memref<5x128x64xf32, #tpu.memory_space<vmem>> -> memref<1x128x64xf32, #tpu.memory_space<vmem>>
        %dma_start3A_1251 = tpu.memref_squeeze %dma_start3A_1250 : memref<1x128x64xf32, #tpu.memory_space<vmem>> -> memref<128x64xf32, #tpu.memory_space<vmem>>
        %dma_start3A_1252 = arith.constant 0 : i32
        %dma_start3A_1253 = tpu.memref_slice %arg5[%add3A_1240, %dma_start3A_1252] : memref<50x128xi32, #tpu.memory_space<vmem>> -> memref<1x128xi32, #tpu.memory_space<vmem>>
        %dma_start3A_1254 = tpu.memref_squeeze %dma_start3A_1253 : memref<1x128xi32, #tpu.memory_space<vmem>> -> memref<128xi32, #tpu.memory_space<vmem>>
        %dma_start3A_1255 = arith.constant 0 : i32
        %dma_start3A_1256 = arith.constant 0 : i32
        %dma_start3A_1257 = tpu.memref_slice %arg3[%dma_start3A_1255, %dma_start3A_1256] : memref<100000x64xf32, #tpu.memory_space<hbm>> -> memref<100000x64xf32, #tpu.memory_space<hbm>>
        tpu.enqueue_indirect_dma source(%dma_start3A_1257 : memref<100000x64xf32, #tpu.memory_space<hbm>>) target(%dma_start3A_1251 : memref<128x64xf32, #tpu.memory_space<vmem>>) offsets(%dma_start3A_1254 : memref<128xi32, #tpu.memory_space<vmem>>) semaphore(%arg7 : memref<!tpu.dma_semaphore, #tpu.memory_space<semaphore_mem>>)
      } else {
      }
      %mul3A_736 = arith.constant 5 : i32
      %mul3A_737 = arith.muli %add3A_362, %mul3A_736 : i32
      %add3A_738 = arith.constant 0 : i32
      %add3A_739 = arith.addi %mul3A_737, %add3A_738 : i32
      %dma_wait3A_740 = arith.constant 1 : i32
      %dma_wait3A_741 = arith.constant 0 : i32
      %dma_wait3A_742 = arith.constant 0 : i32
      %dma_wait3A_743 = arith.constant 0 : i32
      %dma_wait3A_744 = arith.constant 0 : i32
      %dma_wait3A_745 = tpu.memref_slice %arg6[%dma_wait3A_740, %dma_wait3A_742, %dma_wait3A_743, %dma_wait3A_744] : memref<2x5x128x64xf32, #tpu.memory_space<vmem>> -> memref<1x5x128x64xf32, #tpu.memory_space<vmem>>
      %dma_wait3A_746 = tpu.memref_squeeze %dma_wait3A_745 : memref<1x5x128x64xf32, #tpu.memory_space<vmem>> -> memref<5x128x64xf32, #tpu.memory_space<vmem>>
      %dma_wait3A_747 = arith.constant 0 : i32
      %dma_wait3A_748 = arith.constant 0 : i32
      %dma_wait3A_749 = tpu.memref_slice %dma_wait3A_746[%dma_wait3A_741, %dma_wait3A_747, %dma_wait3A_748] : memref<5x128x64xf32, #tpu.memory_space<vmem>> -> memref<1x128x64xf32, #tpu.memory_space<vmem>>
      %dma_wait3A_750 = tpu.memref_squeeze %dma_wait3A_749 : memref<1x128x64xf32, #tpu.memory_space<vmem>> -> memref<128x64xf32, #tpu.memory_space<vmem>>
      %dma_wait3A_751 = arith.constant 0 : i32
      %dma_wait3A_752 = tpu.memref_slice %arg5[%add3A_739, %dma_wait3A_751] : memref<50x128xi32, #tpu.memory_space<vmem>> -> memref<1x128xi32, #tpu.memory_space<vmem>>
      %dma_wait3A_753 = tpu.memref_squeeze %dma_wait3A_752 : memref<1x128xi32, #tpu.memory_space<vmem>> -> memref<128xi32, #tpu.memory_space<vmem>>
      %dma_wait3A_754 = arith.constant 0 : i32
      %dma_wait3A_755 = arith.constant 0 : i32
      %dma_wait3A_756 = tpu.memref_slice %arg3[%dma_wait3A_754, %dma_wait3A_755] : memref<100000x64xf32, #tpu.memory_space<hbm>> -> memref<100000x64xf32, #tpu.memory_space<hbm>>
      tpu.wait_indirect_dma semaphore(%arg8 : memref<!tpu.dma_semaphore, #tpu.memory_space<semaphore_mem>>) src(%dma_wait3A_756 : memref<100000x64xf32, #tpu.memory_space<hbm>>) dst(%dma_wait3A_750 : memref<128x64xf32, #tpu.memory_space<vmem>>)
      %mul3A_757 = arith.constant 5 : i32
      %mul3A_758 = arith.muli %add3A_362, %mul3A_757 : i32
      %add3A_759 = arith.constant 1 : i32
      %add3A_760 = arith.addi %mul3A_758, %add3A_759 : i32
      %dma_wait3A_761 = arith.constant 1 : i32
      %dma_wait3A_762 = arith.constant 1 : i32
      %dma_wait3A_763 = arith.constant 0 : i32
      %dma_wait3A_764 = arith.constant 0 : i32
      %dma_wait3A_765 = arith.constant 0 : i32
      %dma_wait3A_766 = tpu.memref_slice %arg6[%dma_wait3A_761, %dma_wait3A_763, %dma_wait3A_764, %dma_wait3A_765] : memref<2x5x128x64xf32, #tpu.memory_space<vmem>> -> memref<1x5x128x64xf32, #tpu.memory_space<vmem>>
      %dma_wait3A_767 = tpu.memref_squeeze %dma_wait3A_766 : memref<1x5x128x64xf32, #tpu.memory_space<vmem>> -> memref<5x128x64xf32, #tpu.memory_space<vmem>>
      %dma_wait3A_768 = arith.constant 0 : i32
      %dma_wait3A_769 = arith.constant 0 : i32
      %dma_wait3A_770 = tpu.memref_slice %dma_wait3A_767[%dma_wait3A_762, %dma_wait3A_768, %dma_wait3A_769] : memref<5x128x64xf32, #tpu.memory_space<vmem>> -> memref<1x128x64xf32, #tpu.memory_space<vmem>>
      %dma_wait3A_771 = tpu.memref_squeeze %dma_wait3A_770 : memref<1x128x64xf32, #tpu.memory_space<vmem>> -> memref<128x64xf32, #tpu.memory_space<vmem>>
      %dma_wait3A_772 = arith.constant 0 : i32
      %dma_wait3A_773 = tpu.memref_slice %arg5[%add3A_760, %dma_wait3A_772] : memref<50x128xi32, #tpu.memory_space<vmem>> -> memref<1x128xi32, #tpu.memory_space<vmem>>
      %dma_wait3A_774 = tpu.memref_squeeze %dma_wait3A_773 : memref<1x128xi32, #tpu.memory_space<vmem>> -> memref<128xi32, #tpu.memory_space<vmem>>
      %dma_wait3A_775 = arith.constant 0 : i32
      %dma_wait3A_776 = arith.constant 0 : i32
      %dma_wait3A_777 = tpu.memref_slice %arg3[%dma_wait3A_775, %dma_wait3A_776] : memref<100000x64xf32, #tpu.memory_space<hbm>> -> memref<100000x64xf32, #tpu.memory_space<hbm>>
      tpu.wait_indirect_dma semaphore(%arg8 : memref<!tpu.dma_semaphore, #tpu.memory_space<semaphore_mem>>) src(%dma_wait3A_777 : memref<100000x64xf32, #tpu.memory_space<hbm>>) dst(%dma_wait3A_771 : memref<128x64xf32, #tpu.memory_space<vmem>>)
      %mul3A_778 = arith.constant 5 : i32
      %mul3A_779 = arith.muli %add3A_362, %mul3A_778 : i32
      %add3A_780 = arith.constant 2 : i32
      %add3A_781 = arith.addi %mul3A_779, %add3A_780 : i32
      %dma_wait3A_782 = arith.constant 1 : i32
      %dma_wait3A_783 = arith.constant 2 : i32
      %dma_wait3A_784 = arith.constant 0 : i32
      %dma_wait3A_785 = arith.constant 0 : i32
      %dma_wait3A_786 = arith.constant 0 : i32
      %dma_wait3A_787 = tpu.memref_slice %arg6[%dma_wait3A_782, %dma_wait3A_784, %dma_wait3A_785, %dma_wait3A_786] : memref<2x5x128x64xf32, #tpu.memory_space<vmem>> -> memref<1x5x128x64xf32, #tpu.memory_space<vmem>>
      %dma_wait3A_788 = tpu.memref_squeeze %dma_wait3A_787 : memref<1x5x128x64xf32, #tpu.memory_space<vmem>> -> memref<5x128x64xf32, #tpu.memory_space<vmem>>
      %dma_wait3A_789 = arith.constant 0 : i32
      %dma_wait3A_790 = arith.constant 0 : i32
      %dma_wait3A_791 = tpu.memref_slice %dma_wait3A_788[%dma_wait3A_783, %dma_wait3A_789, %dma_wait3A_790] : memref<5x128x64xf32, #tpu.memory_space<vmem>> -> memref<1x128x64xf32, #tpu.memory_space<vmem>>
      %dma_wait3A_792 = tpu.memref_squeeze %dma_wait3A_791 : memref<1x128x64xf32, #tpu.memory_space<vmem>> -> memref<128x64xf32, #tpu.memory_space<vmem>>
      %dma_wait3A_793 = arith.constant 0 : i32
      %dma_wait3A_794 = tpu.memref_slice %arg5[%add3A_781, %dma_wait3A_793] : memref<50x128xi32, #tpu.memory_space<vmem>> -> memref<1x128xi32, #tpu.memory_space<vmem>>
      %dma_wait3A_795 = tpu.memref_squeeze %dma_wait3A_794 : memref<1x128xi32, #tpu.memory_space<vmem>> -> memref<128xi32, #tpu.memory_space<vmem>>
      %dma_wait3A_796 = arith.constant 0 : i32
      %dma_wait3A_797 = arith.constant 0 : i32
      %dma_wait3A_798 = tpu.memref_slice %arg3[%dma_wait3A_796, %dma_wait3A_797] : memref<100000x64xf32, #tpu.memory_space<hbm>> -> memref<100000x64xf32, #tpu.memory_space<hbm>>
      tpu.wait_indirect_dma semaphore(%arg8 : memref<!tpu.dma_semaphore, #tpu.memory_space<semaphore_mem>>) src(%dma_wait3A_798 : memref<100000x64xf32, #tpu.memory_space<hbm>>) dst(%dma_wait3A_792 : memref<128x64xf32, #tpu.memory_space<vmem>>)
      %mul3A_799 = arith.constant 5 : i32
      %mul3A_800 = arith.muli %add3A_362, %mul3A_799 : i32
      %add3A_801 = arith.constant 3 : i32
      %add3A_802 = arith.addi %mul3A_800, %add3A_801 : i32
      %dma_wait3A_803 = arith.constant 1 : i32
      %dma_wait3A_804 = arith.constant 3 : i32
      %dma_wait3A_805 = arith.constant 0 : i32
      %dma_wait3A_806 = arith.constant 0 : i32
      %dma_wait3A_807 = arith.constant 0 : i32
      %dma_wait3A_808 = tpu.memref_slice %arg6[%dma_wait3A_803, %dma_wait3A_805, %dma_wait3A_806, %dma_wait3A_807] : memref<2x5x128x64xf32, #tpu.memory_space<vmem>> -> memref<1x5x128x64xf32, #tpu.memory_space<vmem>>
      %dma_wait3A_809 = tpu.memref_squeeze %dma_wait3A_808 : memref<1x5x128x64xf32, #tpu.memory_space<vmem>> -> memref<5x128x64xf32, #tpu.memory_space<vmem>>
      %dma_wait3A_810 = arith.constant 0 : i32
      %dma_wait3A_811 = arith.constant 0 : i32
      %dma_wait3A_812 = tpu.memref_slice %dma_wait3A_809[%dma_wait3A_804, %dma_wait3A_810, %dma_wait3A_811] : memref<5x128x64xf32, #tpu.memory_space<vmem>> -> memref<1x128x64xf32, #tpu.memory_space<vmem>>
      %dma_wait3A_813 = tpu.memref_squeeze %dma_wait3A_812 : memref<1x128x64xf32, #tpu.memory_space<vmem>> -> memref<128x64xf32, #tpu.memory_space<vmem>>
      %dma_wait3A_814 = arith.constant 0 : i32
      %dma_wait3A_815 = tpu.memref_slice %arg5[%add3A_802, %dma_wait3A_814] : memref<50x128xi32, #tpu.memory_space<vmem>> -> memref<1x128xi32, #tpu.memory_space<vmem>>
      %dma_wait3A_816 = tpu.memref_squeeze %dma_wait3A_815 : memref<1x128xi32, #tpu.memory_space<vmem>> -> memref<128xi32, #tpu.memory_space<vmem>>
      %dma_wait3A_817 = arith.constant 0 : i32
      %dma_wait3A_818 = arith.constant 0 : i32
      %dma_wait3A_819 = tpu.memref_slice %arg3[%dma_wait3A_817, %dma_wait3A_818] : memref<100000x64xf32, #tpu.memory_space<hbm>> -> memref<100000x64xf32, #tpu.memory_space<hbm>>
      tpu.wait_indirect_dma semaphore(%arg8 : memref<!tpu.dma_semaphore, #tpu.memory_space<semaphore_mem>>) src(%dma_wait3A_819 : memref<100000x64xf32, #tpu.memory_space<hbm>>) dst(%dma_wait3A_813 : memref<128x64xf32, #tpu.memory_space<vmem>>)
      %mul3A_820 = arith.constant 5 : i32
      %mul3A_821 = arith.muli %add3A_362, %mul3A_820 : i32
      %add3A_822 = arith.constant 4 : i32
      %add3A_823 = arith.addi %mul3A_821, %add3A_822 : i32
      %dma_wait3A_824 = arith.constant 1 : i32
      %dma_wait3A_825 = arith.constant 4 : i32
      %dma_wait3A_826 = arith.constant 0 : i32
      %dma_wait3A_827 = arith.constant 0 : i32
      %dma_wait3A_828 = arith.constant 0 : i32
      %dma_wait3A_829 = tpu.memref_slice %arg6[%dma_wait3A_824, %dma_wait3A_826, %dma_wait3A_827, %dma_wait3A_828] : memref<2x5x128x64xf32, #tpu.memory_space<vmem>> -> memref<1x5x128x64xf32, #tpu.memory_space<vmem>>
      %dma_wait3A_830 = tpu.memref_squeeze %dma_wait3A_829 : memref<1x5x128x64xf32, #tpu.memory_space<vmem>> -> memref<5x128x64xf32, #tpu.memory_space<vmem>>
      %dma_wait3A_831 = arith.constant 0 : i32
      %dma_wait3A_832 = arith.constant 0 : i32
      %dma_wait3A_833 = tpu.memref_slice %dma_wait3A_830[%dma_wait3A_825, %dma_wait3A_831, %dma_wait3A_832] : memref<5x128x64xf32, #tpu.memory_space<vmem>> -> memref<1x128x64xf32, #tpu.memory_space<vmem>>
      %dma_wait3A_834 = tpu.memref_squeeze %dma_wait3A_833 : memref<1x128x64xf32, #tpu.memory_space<vmem>> -> memref<128x64xf32, #tpu.memory_space<vmem>>
      %dma_wait3A_835 = arith.constant 0 : i32
      %dma_wait3A_836 = tpu.memref_slice %arg5[%add3A_823, %dma_wait3A_835] : memref<50x128xi32, #tpu.memory_space<vmem>> -> memref<1x128xi32, #tpu.memory_space<vmem>>
      %dma_wait3A_837 = tpu.memref_squeeze %dma_wait3A_836 : memref<1x128xi32, #tpu.memory_space<vmem>> -> memref<128xi32, #tpu.memory_space<vmem>>
      %dma_wait3A_838 = arith.constant 0 : i32
      %dma_wait3A_839 = arith.constant 0 : i32
      %dma_wait3A_840 = tpu.memref_slice %arg3[%dma_wait3A_838, %dma_wait3A_839] : memref<100000x64xf32, #tpu.memory_space<hbm>> -> memref<100000x64xf32, #tpu.memory_space<hbm>>
      tpu.wait_indirect_dma semaphore(%arg8 : memref<!tpu.dma_semaphore, #tpu.memory_space<semaphore_mem>>) src(%dma_wait3A_840 : memref<100000x64xf32, #tpu.memory_space<hbm>>) dst(%dma_wait3A_834 : memref<128x64xf32, #tpu.memory_space<vmem>>)
      %mul3A_841 = arith.constant 5 : i32
      %mul3A_842 = arith.muli %add3A_362, %mul3A_841 : i32
      %add3A_843 = arith.constant 0 : i32
      %add3A_844 = arith.addi %mul3A_842, %add3A_843 : i32
      %mul3A_845 = arith.constant 128 : i32
      %mul3A_846 = arith.muli %add3A_844, %mul3A_845 : i32
      %add3A_847 = arith.addi %mul3A_2, %mul3A_846 : i32
      %dma_start3A_848 = arith.constant 1 : i32
      %dma_start3A_849 = arith.constant 0 : i32
      %dma_start3A_850 = arith.constant 0 : i32
      %dma_start3A_851 = arith.constant 0 : i32
      %dma_start3A_852 = arith.constant 0 : i32
      %dma_start3A_853 = tpu.memref_slice %arg6[%dma_start3A_848, %dma_start3A_850, %dma_start3A_851, %dma_start3A_852] : memref<2x5x128x64xf32, #tpu.memory_space<vmem>> -> memref<1x5x128x64xf32, #tpu.memory_space<vmem>>
      %dma_start3A_854 = tpu.memref_squeeze %dma_start3A_853 : memref<1x5x128x64xf32, #tpu.memory_space<vmem>> -> memref<5x128x64xf32, #tpu.memory_space<vmem>>
      %dma_start3A_855 = arith.constant 0 : i32
      %dma_start3A_856 = arith.constant 0 : i32
      %dma_start3A_857 = tpu.memref_slice %dma_start3A_854[%dma_start3A_849, %dma_start3A_855, %dma_start3A_856] : memref<5x128x64xf32, #tpu.memory_space<vmem>> -> memref<1x128x64xf32, #tpu.memory_space<vmem>>
      %dma_start3A_858 = tpu.memref_squeeze %dma_start3A_857 : memref<1x128x64xf32, #tpu.memory_space<vmem>> -> memref<128x64xf32, #tpu.memory_space<vmem>>
      %dma_start3A_859 = arith.constant 0 : i32
      %dma_start3A_860 = tpu.memref_slice %arg4[%add3A_847, %dma_start3A_859] : memref<204800x64xf32, #tpu.memory_space<hbm>> -> memref<128x64xf32, #tpu.memory_space<hbm>>
      %dma_start3A_861 = arith.constant 0 : i32
      %dma_start3A_862 = tpu.memref_slice %arg4[%add3A_847, %dma_start3A_861] : memref<204800x64xf32, #tpu.memory_space<hbm>> -> memref<128x64xf32, #tpu.memory_space<hbm>>
      %dma_start3A_863 = arith.constant 0 : i32
      %dma_start3A_864 = arith.constant 0 : i32
      %dma_start3A_865 = arith.constant 0 : i32
      %dma_start3A_866 = tpu.memref_slice %arg6[%dma_start3A_848, %dma_start3A_863, %dma_start3A_864, %dma_start3A_865] : memref<2x5x128x64xf32, #tpu.memory_space<vmem>> -> memref<1x5x128x64xf32, #tpu.memory_space<vmem>>
      %dma_start3A_867 = tpu.memref_squeeze %dma_start3A_866 : memref<1x5x128x64xf32, #tpu.memory_space<vmem>> -> memref<5x128x64xf32, #tpu.memory_space<vmem>>
      %dma_start3A_868 = arith.constant 0 : i32
      %dma_start3A_869 = arith.constant 0 : i32
      %dma_start3A_870 = tpu.memref_slice %dma_start3A_867[%dma_start3A_849, %dma_start3A_868, %dma_start3A_869] : memref<5x128x64xf32, #tpu.memory_space<vmem>> -> memref<1x128x64xf32, #tpu.memory_space<vmem>>
      %dma_start3A_871 = tpu.memref_squeeze %dma_start3A_870 : memref<1x128x64xf32, #tpu.memory_space<vmem>> -> memref<128x64xf32, #tpu.memory_space<vmem>>
      tpu.enqueue_dma source(%dma_start3A_871 : memref<128x64xf32, #tpu.memory_space<vmem>>) target(%dma_start3A_862 : memref<128x64xf32, #tpu.memory_space<hbm>>) target_semaphore(%arg10 : memref<!tpu.dma_semaphore, #tpu.memory_space<semaphore_mem>>)
      %mul3A_872 = arith.constant 5 : i32
      %mul3A_873 = arith.muli %add3A_362, %mul3A_872 : i32
      %add3A_874 = arith.constant 1 : i32
      %add3A_875 = arith.addi %mul3A_873, %add3A_874 : i32
      %mul3A_876 = arith.constant 128 : i32
      %mul3A_877 = arith.muli %add3A_875, %mul3A_876 : i32
      %add3A_878 = arith.addi %mul3A_2, %mul3A_877 : i32
      %dma_start3A_879 = arith.constant 1 : i32
      %dma_start3A_880 = arith.constant 1 : i32
      %dma_start3A_881 = arith.constant 0 : i32
      %dma_start3A_882 = arith.constant 0 : i32
      %dma_start3A_883 = arith.constant 0 : i32
      %dma_start3A_884 = tpu.memref_slice %arg6[%dma_start3A_879, %dma_start3A_881, %dma_start3A_882, %dma_start3A_883] : memref<2x5x128x64xf32, #tpu.memory_space<vmem>> -> memref<1x5x128x64xf32, #tpu.memory_space<vmem>>
      %dma_start3A_885 = tpu.memref_squeeze %dma_start3A_884 : memref<1x5x128x64xf32, #tpu.memory_space<vmem>> -> memref<5x128x64xf32, #tpu.memory_space<vmem>>
      %dma_start3A_886 = arith.constant 0 : i32
      %dma_start3A_887 = arith.constant 0 : i32
      %dma_start3A_888 = tpu.memref_slice %dma_start3A_885[%dma_start3A_880, %dma_start3A_886, %dma_start3A_887] : memref<5x128x64xf32, #tpu.memory_space<vmem>> -> memref<1x128x64xf32, #tpu.memory_space<vmem>>
      %dma_start3A_889 = tpu.memref_squeeze %dma_start3A_888 : memref<1x128x64xf32, #tpu.memory_space<vmem>> -> memref<128x64xf32, #tpu.memory_space<vmem>>
      %dma_start3A_890 = arith.constant 0 : i32
      %dma_start3A_891 = tpu.memref_slice %arg4[%add3A_878, %dma_start3A_890] : memref<204800x64xf32, #tpu.memory_space<hbm>> -> memref<128x64xf32, #tpu.memory_space<hbm>>
      %dma_start3A_892 = arith.constant 0 : i32
      %dma_start3A_893 = tpu.memref_slice %arg4[%add3A_878, %dma_start3A_892] : memref<204800x64xf32, #tpu.memory_space<hbm>> -> memref<128x64xf32, #tpu.memory_space<hbm>>
      %dma_start3A_894 = arith.constant 0 : i32
      %dma_start3A_895 = arith.constant 0 : i32
      %dma_start3A_896 = arith.constant 0 : i32
      %dma_start3A_897 = tpu.memref_slice %arg6[%dma_start3A_879, %dma_start3A_894, %dma_start3A_895, %dma_start3A_896] : memref<2x5x128x64xf32, #tpu.memory_space<vmem>> -> memref<1x5x128x64xf32, #tpu.memory_space<vmem>>
      %dma_start3A_898 = tpu.memref_squeeze %dma_start3A_897 : memref<1x5x128x64xf32, #tpu.memory_space<vmem>> -> memref<5x128x64xf32, #tpu.memory_space<vmem>>
      %dma_start3A_899 = arith.constant 0 : i32
      %dma_start3A_900 = arith.constant 0 : i32
      %dma_start3A_901 = tpu.memref_slice %dma_start3A_898[%dma_start3A_880, %dma_start3A_899, %dma_start3A_900] : memref<5x128x64xf32, #tpu.memory_space<vmem>> -> memref<1x128x64xf32, #tpu.memory_space<vmem>>
      %dma_start3A_902 = tpu.memref_squeeze %dma_start3A_901 : memref<1x128x64xf32, #tpu.memory_space<vmem>> -> memref<128x64xf32, #tpu.memory_space<vmem>>
      tpu.enqueue_dma source(%dma_start3A_902 : memref<128x64xf32, #tpu.memory_space<vmem>>) target(%dma_start3A_893 : memref<128x64xf32, #tpu.memory_space<hbm>>) target_semaphore(%arg10 : memref<!tpu.dma_semaphore, #tpu.memory_space<semaphore_mem>>)
      %mul3A_903 = arith.constant 5 : i32
      %mul3A_904 = arith.muli %add3A_362, %mul3A_903 : i32
      %add3A_905 = arith.constant 2 : i32
      %add3A_906 = arith.addi %mul3A_904, %add3A_905 : i32
      %mul3A_907 = arith.constant 128 : i32
      %mul3A_908 = arith.muli %add3A_906, %mul3A_907 : i32
      %add3A_909 = arith.addi %mul3A_2, %mul3A_908 : i32
      %dma_start3A_910 = arith.constant 1 : i32
      %dma_start3A_911 = arith.constant 2 : i32
      %dma_start3A_912 = arith.constant 0 : i32
      %dma_start3A_913 = arith.constant 0 : i32
      %dma_start3A_914 = arith.constant 0 : i32
      %dma_start3A_915 = tpu.memref_slice %arg6[%dma_start3A_910, %dma_start3A_912, %dma_start3A_913, %dma_start3A_914] : memref<2x5x128x64xf32, #tpu.memory_space<vmem>> -> memref<1x5x128x64xf32, #tpu.memory_space<vmem>>
      %dma_start3A_916 = tpu.memref_squeeze %dma_start3A_915 : memref<1x5x128x64xf32, #tpu.memory_space<vmem>> -> memref<5x128x64xf32, #tpu.memory_space<vmem>>
      %dma_start3A_917 = arith.constant 0 : i32
      %dma_start3A_918 = arith.constant 0 : i32
      %dma_start3A_919 = tpu.memref_slice %dma_start3A_916[%dma_start3A_911, %dma_start3A_917, %dma_start3A_918] : memref<5x128x64xf32, #tpu.memory_space<vmem>> -> memref<1x128x64xf32, #tpu.memory_space<vmem>>
      %dma_start3A_920 = tpu.memref_squeeze %dma_start3A_919 : memref<1x128x64xf32, #tpu.memory_space<vmem>> -> memref<128x64xf32, #tpu.memory_space<vmem>>
      %dma_start3A_921 = arith.constant 0 : i32
      %dma_start3A_922 = tpu.memref_slice %arg4[%add3A_909, %dma_start3A_921] : memref<204800x64xf32, #tpu.memory_space<hbm>> -> memref<128x64xf32, #tpu.memory_space<hbm>>
      %dma_start3A_923 = arith.constant 0 : i32
      %dma_start3A_924 = tpu.memref_slice %arg4[%add3A_909, %dma_start3A_923] : memref<204800x64xf32, #tpu.memory_space<hbm>> -> memref<128x64xf32, #tpu.memory_space<hbm>>
      %dma_start3A_925 = arith.constant 0 : i32
      %dma_start3A_926 = arith.constant 0 : i32
      %dma_start3A_927 = arith.constant 0 : i32
      %dma_start3A_928 = tpu.memref_slice %arg6[%dma_start3A_910, %dma_start3A_925, %dma_start3A_926, %dma_start3A_927] : memref<2x5x128x64xf32, #tpu.memory_space<vmem>> -> memref<1x5x128x64xf32, #tpu.memory_space<vmem>>
      %dma_start3A_929 = tpu.memref_squeeze %dma_start3A_928 : memref<1x5x128x64xf32, #tpu.memory_space<vmem>> -> memref<5x128x64xf32, #tpu.memory_space<vmem>>
      %dma_start3A_930 = arith.constant 0 : i32
      %dma_start3A_931 = arith.constant 0 : i32
      %dma_start3A_932 = tpu.memref_slice %dma_start3A_929[%dma_start3A_911, %dma_start3A_930, %dma_start3A_931] : memref<5x128x64xf32, #tpu.memory_space<vmem>> -> memref<1x128x64xf32, #tpu.memory_space<vmem>>
      %dma_start3A_933 = tpu.memref_squeeze %dma_start3A_932 : memref<1x128x64xf32, #tpu.memory_space<vmem>> -> memref<128x64xf32, #tpu.memory_space<vmem>>
      tpu.enqueue_dma source(%dma_start3A_933 : memref<128x64xf32, #tpu.memory_space<vmem>>) target(%dma_start3A_924 : memref<128x64xf32, #tpu.memory_space<hbm>>) target_semaphore(%arg10 : memref<!tpu.dma_semaphore, #tpu.memory_space<semaphore_mem>>)
      %mul3A_934 = arith.constant 5 : i32
      %mul3A_935 = arith.muli %add3A_362, %mul3A_934 : i32
      %add3A_936 = arith.constant 3 : i32
      %add3A_937 = arith.addi %mul3A_935, %add3A_936 : i32
      %mul3A_938 = arith.constant 128 : i32
      %mul3A_939 = arith.muli %add3A_937, %mul3A_938 : i32
      %add3A_940 = arith.addi %mul3A_2, %mul3A_939 : i32
      %dma_start3A_941 = arith.constant 1 : i32
      %dma_start3A_942 = arith.constant 3 : i32
      %dma_start3A_943 = arith.constant 0 : i32
      %dma_start3A_944 = arith.constant 0 : i32
      %dma_start3A_945 = arith.constant 0 : i32
      %dma_start3A_946 = tpu.memref_slice %arg6[%dma_start3A_941, %dma_start3A_943, %dma_start3A_944, %dma_start3A_945] : memref<2x5x128x64xf32, #tpu.memory_space<vmem>> -> memref<1x5x128x64xf32, #tpu.memory_space<vmem>>
      %dma_start3A_947 = tpu.memref_squeeze %dma_start3A_946 : memref<1x5x128x64xf32, #tpu.memory_space<vmem>> -> memref<5x128x64xf32, #tpu.memory_space<vmem>>
      %dma_start3A_948 = arith.constant 0 : i32
      %dma_start3A_949 = arith.constant 0 : i32
      %dma_start3A_950 = tpu.memref_slice %dma_start3A_947[%dma_start3A_942, %dma_start3A_948, %dma_start3A_949] : memref<5x128x64xf32, #tpu.memory_space<vmem>> -> memref<1x128x64xf32, #tpu.memory_space<vmem>>
      %dma_start3A_951 = tpu.memref_squeeze %dma_start3A_950 : memref<1x128x64xf32, #tpu.memory_space<vmem>> -> memref<128x64xf32, #tpu.memory_space<vmem>>
      %dma_start3A_952 = arith.constant 0 : i32
      %dma_start3A_953 = tpu.memref_slice %arg4[%add3A_940, %dma_start3A_952] : memref<204800x64xf32, #tpu.memory_space<hbm>> -> memref<128x64xf32, #tpu.memory_space<hbm>>
      %dma_start3A_954 = arith.constant 0 : i32
      %dma_start3A_955 = tpu.memref_slice %arg4[%add3A_940, %dma_start3A_954] : memref<204800x64xf32, #tpu.memory_space<hbm>> -> memref<128x64xf32, #tpu.memory_space<hbm>>
      %dma_start3A_956 = arith.constant 0 : i32
      %dma_start3A_957 = arith.constant 0 : i32
      %dma_start3A_958 = arith.constant 0 : i32
      %dma_start3A_959 = tpu.memref_slice %arg6[%dma_start3A_941, %dma_start3A_956, %dma_start3A_957, %dma_start3A_958] : memref<2x5x128x64xf32, #tpu.memory_space<vmem>> -> memref<1x5x128x64xf32, #tpu.memory_space<vmem>>
      %dma_start3A_960 = tpu.memref_squeeze %dma_start3A_959 : memref<1x5x128x64xf32, #tpu.memory_space<vmem>> -> memref<5x128x64xf32, #tpu.memory_space<vmem>>
      %dma_start3A_961 = arith.constant 0 : i32
      %dma_start3A_962 = arith.constant 0 : i32
      %dma_start3A_963 = tpu.memref_slice %dma_start3A_960[%dma_start3A_942, %dma_start3A_961, %dma_start3A_962] : memref<5x128x64xf32, #tpu.memory_space<vmem>> -> memref<1x128x64xf32, #tpu.memory_space<vmem>>
      %dma_start3A_964 = tpu.memref_squeeze %dma_start3A_963 : memref<1x128x64xf32, #tpu.memory_space<vmem>> -> memref<128x64xf32, #tpu.memory_space<vmem>>
      tpu.enqueue_dma source(%dma_start3A_964 : memref<128x64xf32, #tpu.memory_space<vmem>>) target(%dma_start3A_955 : memref<128x64xf32, #tpu.memory_space<hbm>>) target_semaphore(%arg10 : memref<!tpu.dma_semaphore, #tpu.memory_space<semaphore_mem>>)
      %mul3A_965 = arith.constant 5 : i32
      %mul3A_966 = arith.muli %add3A_362, %mul3A_965 : i32
      %add3A_967 = arith.constant 4 : i32
      %add3A_968 = arith.addi %mul3A_966, %add3A_967 : i32
      %mul3A_969 = arith.constant 128 : i32
      %mul3A_970 = arith.muli %add3A_968, %mul3A_969 : i32
      %add3A_971 = arith.addi %mul3A_2, %mul3A_970 : i32
      %dma_start3A_972 = arith.constant 1 : i32
      %dma_start3A_973 = arith.constant 4 : i32
      %dma_start3A_974 = arith.constant 0 : i32
      %dma_start3A_975 = arith.constant 0 : i32
      %dma_start3A_976 = arith.constant 0 : i32
      %dma_start3A_977 = tpu.memref_slice %arg6[%dma_start3A_972, %dma_start3A_974, %dma_start3A_975, %dma_start3A_976] : memref<2x5x128x64xf32, #tpu.memory_space<vmem>> -> memref<1x5x128x64xf32, #tpu.memory_space<vmem>>
      %dma_start3A_978 = tpu.memref_squeeze %dma_start3A_977 : memref<1x5x128x64xf32, #tpu.memory_space<vmem>> -> memref<5x128x64xf32, #tpu.memory_space<vmem>>
      %dma_start3A_979 = arith.constant 0 : i32
      %dma_start3A_980 = arith.constant 0 : i32
      %dma_start3A_981 = tpu.memref_slice %dma_start3A_978[%dma_start3A_973, %dma_start3A_979, %dma_start3A_980] : memref<5x128x64xf32, #tpu.memory_space<vmem>> -> memref<1x128x64xf32, #tpu.memory_space<vmem>>
      %dma_start3A_982 = tpu.memref_squeeze %dma_start3A_981 : memref<1x128x64xf32, #tpu.memory_space<vmem>> -> memref<128x64xf32, #tpu.memory_space<vmem>>
      %dma_start3A_983 = arith.constant 0 : i32
      %dma_start3A_984 = tpu.memref_slice %arg4[%add3A_971, %dma_start3A_983] : memref<204800x64xf32, #tpu.memory_space<hbm>> -> memref<128x64xf32, #tpu.memory_space<hbm>>
      %dma_start3A_985 = arith.constant 0 : i32
      %dma_start3A_986 = tpu.memref_slice %arg4[%add3A_971, %dma_start3A_985] : memref<204800x64xf32, #tpu.memory_space<hbm>> -> memref<128x64xf32, #tpu.memory_space<hbm>>
      %dma_start3A_987 = arith.constant 0 : i32
      %dma_start3A_988 = arith.constant 0 : i32
      %dma_start3A_989 = arith.constant 0 : i32
      %dma_start3A_990 = tpu.memref_slice %arg6[%dma_start3A_972, %dma_start3A_987, %dma_start3A_988, %dma_start3A_989] : memref<2x5x128x64xf32, #tpu.memory_space<vmem>> -> memref<1x5x128x64xf32, #tpu.memory_space<vmem>>
      %dma_start3A_991 = tpu.memref_squeeze %dma_start3A_990 : memref<1x5x128x64xf32, #tpu.memory_space<vmem>> -> memref<5x128x64xf32, #tpu.memory_space<vmem>>
      %dma_start3A_992 = arith.constant 0 : i32
      %dma_start3A_993 = arith.constant 0 : i32
      %dma_start3A_994 = tpu.memref_slice %dma_start3A_991[%dma_start3A_973, %dma_start3A_992, %dma_start3A_993] : memref<5x128x64xf32, #tpu.memory_space<vmem>> -> memref<1x128x64xf32, #tpu.memory_space<vmem>>
      %dma_start3A_995 = tpu.memref_squeeze %dma_start3A_994 : memref<1x128x64xf32, #tpu.memory_space<vmem>> -> memref<128x64xf32, #tpu.memory_space<vmem>>
      tpu.enqueue_dma source(%dma_start3A_995 : memref<128x64xf32, #tpu.memory_space<vmem>>) target(%dma_start3A_986 : memref<128x64xf32, #tpu.memory_space<hbm>>) target_semaphore(%arg10 : memref<!tpu.dma_semaphore, #tpu.memory_space<semaphore_mem>>)
    }
    %scan3A_96 = arith.constant 5 : i32
    %add3A_97 = arith.constant 5120 : i32
    %add3A_98 = arith.addi %mul3A_2, %add3A_97 : i32
    %dma_wait3A = arith.constant 0 : i32
    %dma_wait3A_99 = arith.constant 0 : i32
    %dma_wait3A_100 = arith.constant 0 : i32
    %dma_wait3A_101 = arith.constant 0 : i32
    %dma_wait3A_102 = arith.constant 0 : i32
    %dma_wait3A_103 = tpu.memref_slice %arg6[%dma_wait3A, %dma_wait3A_100, %dma_wait3A_101, %dma_wait3A_102] : memref<2x5x128x64xf32, #tpu.memory_space<vmem>> -> memref<1x5x128x64xf32, #tpu.memory_space<vmem>>
    %dma_wait3A_104 = tpu.memref_squeeze %dma_wait3A_103 : memref<1x5x128x64xf32, #tpu.memory_space<vmem>> -> memref<5x128x64xf32, #tpu.memory_space<vmem>>
    %dma_wait3A_105 = arith.constant 0 : i32
    %dma_wait3A_106 = arith.constant 0 : i32
    %dma_wait3A_107 = tpu.memref_slice %dma_wait3A_104[%dma_wait3A_99, %dma_wait3A_105, %dma_wait3A_106] : memref<5x128x64xf32, #tpu.memory_space<vmem>> -> memref<1x128x64xf32, #tpu.memory_space<vmem>>
    %dma_wait3A_108 = tpu.memref_squeeze %dma_wait3A_107 : memref<1x128x64xf32, #tpu.memory_space<vmem>> -> memref<128x64xf32, #tpu.memory_space<vmem>>
    %dma_wait3A_109 = arith.constant 0 : i32
    %dma_wait3A_110 = tpu.memref_slice %arg4[%add3A_98, %dma_wait3A_109] : memref<204800x64xf32, #tpu.memory_space<hbm>> -> memref<128x64xf32, #tpu.memory_space<hbm>>
    %dma_wait3A_111 = arith.constant 0 : i32
    %dma_wait3A_112 = tpu.memref_slice %arg4[%add3A_98, %dma_wait3A_111] : memref<204800x64xf32, #tpu.memory_space<hbm>> -> memref<128x64xf32, #tpu.memory_space<hbm>>
    %dma_wait3A_113 = arith.constant 0 : i32
    %dma_wait3A_114 = arith.constant 0 : i32
    %dma_wait3A_115 = arith.constant 0 : i32
    %dma_wait3A_116 = tpu.memref_slice %arg6[%dma_wait3A, %dma_wait3A_113, %dma_wait3A_114, %dma_wait3A_115] : memref<2x5x128x64xf32, #tpu.memory_space<vmem>> -> memref<1x5x128x64xf32, #tpu.memory_space<vmem>>
    %dma_wait3A_117 = tpu.memref_squeeze %dma_wait3A_116 : memref<1x5x128x64xf32, #tpu.memory_space<vmem>> -> memref<5x128x64xf32, #tpu.memory_space<vmem>>
    %dma_wait3A_118 = arith.constant 0 : i32
    %dma_wait3A_119 = arith.constant 0 : i32
    %dma_wait3A_120 = tpu.memref_slice %dma_wait3A_117[%dma_wait3A_99, %dma_wait3A_118, %dma_wait3A_119] : memref<5x128x64xf32, #tpu.memory_space<vmem>> -> memref<1x128x64xf32, #tpu.memory_space<vmem>>
    %dma_wait3A_121 = tpu.memref_squeeze %dma_wait3A_120 : memref<1x128x64xf32, #tpu.memory_space<vmem>> -> memref<128x64xf32, #tpu.memory_space<vmem>>
    tpu.wait_dma2 semaphore(%arg9 : memref<!tpu.dma_semaphore, #tpu.memory_space<semaphore_mem>>) src(%dma_wait3A_121 : memref<128x64xf32, #tpu.memory_space<vmem>>) dst(%dma_wait3A_112 : memref<128x64xf32, #tpu.memory_space<hbm>>)
    %add3A_122 = arith.constant 5248 : i32
    %add3A_123 = arith.addi %mul3A_2, %add3A_122 : i32
    %dma_wait3A_124 = arith.constant 0 : i32
    %dma_wait3A_125 = arith.constant 1 : i32
    %dma_wait3A_126 = arith.constant 0 : i32
    %dma_wait3A_127 = arith.constant 0 : i32
    %dma_wait3A_128 = arith.constant 0 : i32
    %dma_wait3A_129 = tpu.memref_slice %arg6[%dma_wait3A_124, %dma_wait3A_126, %dma_wait3A_127, %dma_wait3A_128] : memref<2x5x128x64xf32, #tpu.memory_space<vmem>> -> memref<1x5x128x64xf32, #tpu.memory_space<vmem>>
    %dma_wait3A_130 = tpu.memref_squeeze %dma_wait3A_129 : memref<1x5x128x64xf32, #tpu.memory_space<vmem>> -> memref<5x128x64xf32, #tpu.memory_space<vmem>>
    %dma_wait3A_131 = arith.constant 0 : i32
    %dma_wait3A_132 = arith.constant 0 : i32
    %dma_wait3A_133 = tpu.memref_slice %dma_wait3A_130[%dma_wait3A_125, %dma_wait3A_131, %dma_wait3A_132] : memref<5x128x64xf32, #tpu.memory_space<vmem>> -> memref<1x128x64xf32, #tpu.memory_space<vmem>>
    %dma_wait3A_134 = tpu.memref_squeeze %dma_wait3A_133 : memref<1x128x64xf32, #tpu.memory_space<vmem>> -> memref<128x64xf32, #tpu.memory_space<vmem>>
    %dma_wait3A_135 = arith.constant 0 : i32
    %dma_wait3A_136 = tpu.memref_slice %arg4[%add3A_123, %dma_wait3A_135] : memref<204800x64xf32, #tpu.memory_space<hbm>> -> memref<128x64xf32, #tpu.memory_space<hbm>>
    %dma_wait3A_137 = arith.constant 0 : i32
    %dma_wait3A_138 = tpu.memref_slice %arg4[%add3A_123, %dma_wait3A_137] : memref<204800x64xf32, #tpu.memory_space<hbm>> -> memref<128x64xf32, #tpu.memory_space<hbm>>
    %dma_wait3A_139 = arith.constant 0 : i32
    %dma_wait3A_140 = arith.constant 0 : i32
    %dma_wait3A_141 = arith.constant 0 : i32
    %dma_wait3A_142 = tpu.memref_slice %arg6[%dma_wait3A_124, %dma_wait3A_139, %dma_wait3A_140, %dma_wait3A_141] : memref<2x5x128x64xf32, #tpu.memory_space<vmem>> -> memref<1x5x128x64xf32, #tpu.memory_space<vmem>>
    %dma_wait3A_143 = tpu.memref_squeeze %dma_wait3A_142 : memref<1x5x128x64xf32, #tpu.memory_space<vmem>> -> memref<5x128x64xf32, #tpu.memory_space<vmem>>
    %dma_wait3A_144 = arith.constant 0 : i32
    %dma_wait3A_145 = arith.constant 0 : i32
    %dma_wait3A_146 = tpu.memref_slice %dma_wait3A_143[%dma_wait3A_125, %dma_wait3A_144, %dma_wait3A_145] : memref<5x128x64xf32, #tpu.memory_space<vmem>> -> memref<1x128x64xf32, #tpu.memory_space<vmem>>
    %dma_wait3A_147 = tpu.memref_squeeze %dma_wait3A_146 : memref<1x128x64xf32, #tpu.memory_space<vmem>> -> memref<128x64xf32, #tpu.memory_space<vmem>>
    tpu.wait_dma2 semaphore(%arg9 : memref<!tpu.dma_semaphore, #tpu.memory_space<semaphore_mem>>) src(%dma_wait3A_147 : memref<128x64xf32, #tpu.memory_space<vmem>>) dst(%dma_wait3A_138 : memref<128x64xf32, #tpu.memory_space<hbm>>)
    %add3A_148 = arith.constant 5376 : i32
    %add3A_149 = arith.addi %mul3A_2, %add3A_148 : i32
    %dma_wait3A_150 = arith.constant 0 : i32
    %dma_wait3A_151 = arith.constant 2 : i32
    %dma_wait3A_152 = arith.constant 0 : i32
    %dma_wait3A_153 = arith.constant 0 : i32
    %dma_wait3A_154 = arith.constant 0 : i32
    %dma_wait3A_155 = tpu.memref_slice %arg6[%dma_wait3A_150, %dma_wait3A_152, %dma_wait3A_153, %dma_wait3A_154] : memref<2x5x128x64xf32, #tpu.memory_space<vmem>> -> memref<1x5x128x64xf32, #tpu.memory_space<vmem>>
    %dma_wait3A_156 = tpu.memref_squeeze %dma_wait3A_155 : memref<1x5x128x64xf32, #tpu.memory_space<vmem>> -> memref<5x128x64xf32, #tpu.memory_space<vmem>>
    %dma_wait3A_157 = arith.constant 0 : i32
    %dma_wait3A_158 = arith.constant 0 : i32
    %dma_wait3A_159 = tpu.memref_slice %dma_wait3A_156[%dma_wait3A_151, %dma_wait3A_157, %dma_wait3A_158] : memref<5x128x64xf32, #tpu.memory_space<vmem>> -> memref<1x128x64xf32, #tpu.memory_space<vmem>>
    %dma_wait3A_160 = tpu.memref_squeeze %dma_wait3A_159 : memref<1x128x64xf32, #tpu.memory_space<vmem>> -> memref<128x64xf32, #tpu.memory_space<vmem>>
    %dma_wait3A_161 = arith.constant 0 : i32
    %dma_wait3A_162 = tpu.memref_slice %arg4[%add3A_149, %dma_wait3A_161] : memref<204800x64xf32, #tpu.memory_space<hbm>> -> memref<128x64xf32, #tpu.memory_space<hbm>>
    %dma_wait3A_163 = arith.constant 0 : i32
    %dma_wait3A_164 = tpu.memref_slice %arg4[%add3A_149, %dma_wait3A_163] : memref<204800x64xf32, #tpu.memory_space<hbm>> -> memref<128x64xf32, #tpu.memory_space<hbm>>
    %dma_wait3A_165 = arith.constant 0 : i32
    %dma_wait3A_166 = arith.constant 0 : i32
    %dma_wait3A_167 = arith.constant 0 : i32
    %dma_wait3A_168 = tpu.memref_slice %arg6[%dma_wait3A_150, %dma_wait3A_165, %dma_wait3A_166, %dma_wait3A_167] : memref<2x5x128x64xf32, #tpu.memory_space<vmem>> -> memref<1x5x128x64xf32, #tpu.memory_space<vmem>>
    %dma_wait3A_169 = tpu.memref_squeeze %dma_wait3A_168 : memref<1x5x128x64xf32, #tpu.memory_space<vmem>> -> memref<5x128x64xf32, #tpu.memory_space<vmem>>
    %dma_wait3A_170 = arith.constant 0 : i32
    %dma_wait3A_171 = arith.constant 0 : i32
    %dma_wait3A_172 = tpu.memref_slice %dma_wait3A_169[%dma_wait3A_151, %dma_wait3A_170, %dma_wait3A_171] : memref<5x128x64xf32, #tpu.memory_space<vmem>> -> memref<1x128x64xf32, #tpu.memory_space<vmem>>
    %dma_wait3A_173 = tpu.memref_squeeze %dma_wait3A_172 : memref<1x128x64xf32, #tpu.memory_space<vmem>> -> memref<128x64xf32, #tpu.memory_space<vmem>>
    tpu.wait_dma2 semaphore(%arg9 : memref<!tpu.dma_semaphore, #tpu.memory_space<semaphore_mem>>) src(%dma_wait3A_173 : memref<128x64xf32, #tpu.memory_space<vmem>>) dst(%dma_wait3A_164 : memref<128x64xf32, #tpu.memory_space<hbm>>)
    %add3A_174 = arith.constant 5504 : i32
    %add3A_175 = arith.addi %mul3A_2, %add3A_174 : i32
    %dma_wait3A_176 = arith.constant 0 : i32
    %dma_wait3A_177 = arith.constant 3 : i32
    %dma_wait3A_178 = arith.constant 0 : i32
    %dma_wait3A_179 = arith.constant 0 : i32
    %dma_wait3A_180 = arith.constant 0 : i32
    %dma_wait3A_181 = tpu.memref_slice %arg6[%dma_wait3A_176, %dma_wait3A_178, %dma_wait3A_179, %dma_wait3A_180] : memref<2x5x128x64xf32, #tpu.memory_space<vmem>> -> memref<1x5x128x64xf32, #tpu.memory_space<vmem>>
    %dma_wait3A_182 = tpu.memref_squeeze %dma_wait3A_181 : memref<1x5x128x64xf32, #tpu.memory_space<vmem>> -> memref<5x128x64xf32, #tpu.memory_space<vmem>>
    %dma_wait3A_183 = arith.constant 0 : i32
    %dma_wait3A_184 = arith.constant 0 : i32
    %dma_wait3A_185 = tpu.memref_slice %dma_wait3A_182[%dma_wait3A_177, %dma_wait3A_183, %dma_wait3A_184] : memref<5x128x64xf32, #tpu.memory_space<vmem>> -> memref<1x128x64xf32, #tpu.memory_space<vmem>>
    %dma_wait3A_186 = tpu.memref_squeeze %dma_wait3A_185 : memref<1x128x64xf32, #tpu.memory_space<vmem>> -> memref<128x64xf32, #tpu.memory_space<vmem>>
    %dma_wait3A_187 = arith.constant 0 : i32
    %dma_wait3A_188 = tpu.memref_slice %arg4[%add3A_175, %dma_wait3A_187] : memref<204800x64xf32, #tpu.memory_space<hbm>> -> memref<128x64xf32, #tpu.memory_space<hbm>>
    %dma_wait3A_189 = arith.constant 0 : i32
    %dma_wait3A_190 = tpu.memref_slice %arg4[%add3A_175, %dma_wait3A_189] : memref<204800x64xf32, #tpu.memory_space<hbm>> -> memref<128x64xf32, #tpu.memory_space<hbm>>
    %dma_wait3A_191 = arith.constant 0 : i32
    %dma_wait3A_192 = arith.constant 0 : i32
    %dma_wait3A_193 = arith.constant 0 : i32
    %dma_wait3A_194 = tpu.memref_slice %arg6[%dma_wait3A_176, %dma_wait3A_191, %dma_wait3A_192, %dma_wait3A_193] : memref<2x5x128x64xf32, #tpu.memory_space<vmem>> -> memref<1x5x128x64xf32, #tpu.memory_space<vmem>>
    %dma_wait3A_195 = tpu.memref_squeeze %dma_wait3A_194 : memref<1x5x128x64xf32, #tpu.memory_space<vmem>> -> memref<5x128x64xf32, #tpu.memory_space<vmem>>
    %dma_wait3A_196 = arith.constant 0 : i32
    %dma_wait3A_197 = arith.constant 0 : i32
    %dma_wait3A_198 = tpu.memref_slice %dma_wait3A_195[%dma_wait3A_177, %dma_wait3A_196, %dma_wait3A_197] : memref<5x128x64xf32, #tpu.memory_space<vmem>> -> memref<1x128x64xf32, #tpu.memory_space<vmem>>
    %dma_wait3A_199 = tpu.memref_squeeze %dma_wait3A_198 : memref<1x128x64xf32, #tpu.memory_space<vmem>> -> memref<128x64xf32, #tpu.memory_space<vmem>>
    tpu.wait_dma2 semaphore(%arg9 : memref<!tpu.dma_semaphore, #tpu.memory_space<semaphore_mem>>) src(%dma_wait3A_199 : memref<128x64xf32, #tpu.memory_space<vmem>>) dst(%dma_wait3A_190 : memref<128x64xf32, #tpu.memory_space<hbm>>)
    %add3A_200 = arith.constant 5632 : i32
    %add3A_201 = arith.addi %mul3A_2, %add3A_200 : i32
    %dma_wait3A_202 = arith.constant 0 : i32
    %dma_wait3A_203 = arith.constant 4 : i32
    %dma_wait3A_204 = arith.constant 0 : i32
    %dma_wait3A_205 = arith.constant 0 : i32
    %dma_wait3A_206 = arith.constant 0 : i32
    %dma_wait3A_207 = tpu.memref_slice %arg6[%dma_wait3A_202, %dma_wait3A_204, %dma_wait3A_205, %dma_wait3A_206] : memref<2x5x128x64xf32, #tpu.memory_space<vmem>> -> memref<1x5x128x64xf32, #tpu.memory_space<vmem>>
    %dma_wait3A_208 = tpu.memref_squeeze %dma_wait3A_207 : memref<1x5x128x64xf32, #tpu.memory_space<vmem>> -> memref<5x128x64xf32, #tpu.memory_space<vmem>>
    %dma_wait3A_209 = arith.constant 0 : i32
    %dma_wait3A_210 = arith.constant 0 : i32
    %dma_wait3A_211 = tpu.memref_slice %dma_wait3A_208[%dma_wait3A_203, %dma_wait3A_209, %dma_wait3A_210] : memref<5x128x64xf32, #tpu.memory_space<vmem>> -> memref<1x128x64xf32, #tpu.memory_space<vmem>>
    %dma_wait3A_212 = tpu.memref_squeeze %dma_wait3A_211 : memref<1x128x64xf32, #tpu.memory_space<vmem>> -> memref<128x64xf32, #tpu.memory_space<vmem>>
    %dma_wait3A_213 = arith.constant 0 : i32
    %dma_wait3A_214 = tpu.memref_slice %arg4[%add3A_201, %dma_wait3A_213] : memref<204800x64xf32, #tpu.memory_space<hbm>> -> memref<128x64xf32, #tpu.memory_space<hbm>>
    %dma_wait3A_215 = arith.constant 0 : i32
    %dma_wait3A_216 = tpu.memref_slice %arg4[%add3A_201, %dma_wait3A_215] : memref<204800x64xf32, #tpu.memory_space<hbm>> -> memref<128x64xf32, #tpu.memory_space<hbm>>
    %dma_wait3A_217 = arith.constant 0 : i32
    %dma_wait3A_218 = arith.constant 0 : i32
    %dma_wait3A_219 = arith.constant 0 : i32
    %dma_wait3A_220 = tpu.memref_slice %arg6[%dma_wait3A_202, %dma_wait3A_217, %dma_wait3A_218, %dma_wait3A_219] : memref<2x5x128x64xf32, #tpu.memory_space<vmem>> -> memref<1x5x128x64xf32, #tpu.memory_space<vmem>>
    %dma_wait3A_221 = tpu.memref_squeeze %dma_wait3A_220 : memref<1x5x128x64xf32, #tpu.memory_space<vmem>> -> memref<5x128x64xf32, #tpu.memory_space<vmem>>
    %dma_wait3A_222 = arith.constant 0 : i32
    %dma_wait3A_223 = arith.constant 0 : i32
    %dma_wait3A_224 = tpu.memref_slice %dma_wait3A_221[%dma_wait3A_203, %dma_wait3A_222, %dma_wait3A_223] : memref<5x128x64xf32, #tpu.memory_space<vmem>> -> memref<1x128x64xf32, #tpu.memory_space<vmem>>
    %dma_wait3A_225 = tpu.memref_squeeze %dma_wait3A_224 : memref<1x128x64xf32, #tpu.memory_space<vmem>> -> memref<128x64xf32, #tpu.memory_space<vmem>>
    tpu.wait_dma2 semaphore(%arg9 : memref<!tpu.dma_semaphore, #tpu.memory_space<semaphore_mem>>) src(%dma_wait3A_225 : memref<128x64xf32, #tpu.memory_space<vmem>>) dst(%dma_wait3A_216 : memref<128x64xf32, #tpu.memory_space<hbm>>)
    %add3A_226 = arith.constant 5760 : i32
    %add3A_227 = arith.addi %mul3A_2, %add3A_226 : i32
    %dma_wait3A_228 = arith.constant 1 : i32
    %dma_wait3A_229 = arith.constant 0 : i32
    %dma_wait3A_230 = arith.constant 0 : i32
    %dma_wait3A_231 = arith.constant 0 : i32
    %dma_wait3A_232 = arith.constant 0 : i32
    %dma_wait3A_233 = tpu.memref_slice %arg6[%dma_wait3A_228, %dma_wait3A_230, %dma_wait3A_231, %dma_wait3A_232] : memref<2x5x128x64xf32, #tpu.memory_space<vmem>> -> memref<1x5x128x64xf32, #tpu.memory_space<vmem>>
    %dma_wait3A_234 = tpu.memref_squeeze %dma_wait3A_233 : memref<1x5x128x64xf32, #tpu.memory_space<vmem>> -> memref<5x128x64xf32, #tpu.memory_space<vmem>>
    %dma_wait3A_235 = arith.constant 0 : i32
    %dma_wait3A_236 = arith.constant 0 : i32
    %dma_wait3A_237 = tpu.memref_slice %dma_wait3A_234[%dma_wait3A_229, %dma_wait3A_235, %dma_wait3A_236] : memref<5x128x64xf32, #tpu.memory_space<vmem>> -> memref<1x128x64xf32, #tpu.memory_space<vmem>>
    %dma_wait3A_238 = tpu.memref_squeeze %dma_wait3A_237 : memref<1x128x64xf32, #tpu.memory_space<vmem>> -> memref<128x64xf32, #tpu.memory_space<vmem>>
    %dma_wait3A_239 = arith.constant 0 : i32
    %dma_wait3A_240 = tpu.memref_slice %arg4[%add3A_227, %dma_wait3A_239] : memref<204800x64xf32, #tpu.memory_space<hbm>> -> memref<128x64xf32, #tpu.memory_space<hbm>>
    %dma_wait3A_241 = arith.constant 0 : i32
    %dma_wait3A_242 = tpu.memref_slice %arg4[%add3A_227, %dma_wait3A_241] : memref<204800x64xf32, #tpu.memory_space<hbm>> -> memref<128x64xf32, #tpu.memory_space<hbm>>
    %dma_wait3A_243 = arith.constant 0 : i32
    %dma_wait3A_244 = arith.constant 0 : i32
    %dma_wait3A_245 = arith.constant 0 : i32
    %dma_wait3A_246 = tpu.memref_slice %arg6[%dma_wait3A_228, %dma_wait3A_243, %dma_wait3A_244, %dma_wait3A_245] : memref<2x5x128x64xf32, #tpu.memory_space<vmem>> -> memref<1x5x128x64xf32, #tpu.memory_space<vmem>>
    %dma_wait3A_247 = tpu.memref_squeeze %dma_wait3A_246 : memref<1x5x128x64xf32, #tpu.memory_space<vmem>> -> memref<5x128x64xf32, #tpu.memory_space<vmem>>
    %dma_wait3A_248 = arith.constant 0 : i32
    %dma_wait3A_249 = arith.constant 0 : i32
    %dma_wait3A_250 = tpu.memref_slice %dma_wait3A_247[%dma_wait3A_229, %dma_wait3A_248, %dma_wait3A_249] : memref<5x128x64xf32, #tpu.memory_space<vmem>> -> memref<1x128x64xf32, #tpu.memory_space<vmem>>
    %dma_wait3A_251 = tpu.memref_squeeze %dma_wait3A_250 : memref<1x128x64xf32, #tpu.memory_space<vmem>> -> memref<128x64xf32, #tpu.memory_space<vmem>>
    tpu.wait_dma2 semaphore(%arg10 : memref<!tpu.dma_semaphore, #tpu.memory_space<semaphore_mem>>) src(%dma_wait3A_251 : memref<128x64xf32, #tpu.memory_space<vmem>>) dst(%dma_wait3A_242 : memref<128x64xf32, #tpu.memory_space<hbm>>)
    %add3A_252 = arith.constant 5888 : i32
    %add3A_253 = arith.addi %mul3A_2, %add3A_252 : i32
    %dma_wait3A_254 = arith.constant 1 : i32
    %dma_wait3A_255 = arith.constant 1 : i32
    %dma_wait3A_256 = arith.constant 0 : i32
    %dma_wait3A_257 = arith.constant 0 : i32
    %dma_wait3A_258 = arith.constant 0 : i32
    %dma_wait3A_259 = tpu.memref_slice %arg6[%dma_wait3A_254, %dma_wait3A_256, %dma_wait3A_257, %dma_wait3A_258] : memref<2x5x128x64xf32, #tpu.memory_space<vmem>> -> memref<1x5x128x64xf32, #tpu.memory_space<vmem>>
    %dma_wait3A_260 = tpu.memref_squeeze %dma_wait3A_259 : memref<1x5x128x64xf32, #tpu.memory_space<vmem>> -> memref<5x128x64xf32, #tpu.memory_space<vmem>>
    %dma_wait3A_261 = arith.constant 0 : i32
    %dma_wait3A_262 = arith.constant 0 : i32
    %dma_wait3A_263 = tpu.memref_slice %dma_wait3A_260[%dma_wait3A_255, %dma_wait3A_261, %dma_wait3A_262] : memref<5x128x64xf32, #tpu.memory_space<vmem>> -> memref<1x128x64xf32, #tpu.memory_space<vmem>>
    %dma_wait3A_264 = tpu.memref_squeeze %dma_wait3A_263 : memref<1x128x64xf32, #tpu.memory_space<vmem>> -> memref<128x64xf32, #tpu.memory_space<vmem>>
    %dma_wait3A_265 = arith.constant 0 : i32
    %dma_wait3A_266 = tpu.memref_slice %arg4[%add3A_253, %dma_wait3A_265] : memref<204800x64xf32, #tpu.memory_space<hbm>> -> memref<128x64xf32, #tpu.memory_space<hbm>>
    %dma_wait3A_267 = arith.constant 0 : i32
    %dma_wait3A_268 = tpu.memref_slice %arg4[%add3A_253, %dma_wait3A_267] : memref<204800x64xf32, #tpu.memory_space<hbm>> -> memref<128x64xf32, #tpu.memory_space<hbm>>
    %dma_wait3A_269 = arith.constant 0 : i32
    %dma_wait3A_270 = arith.constant 0 : i32
    %dma_wait3A_271 = arith.constant 0 : i32
    %dma_wait3A_272 = tpu.memref_slice %arg6[%dma_wait3A_254, %dma_wait3A_269, %dma_wait3A_270, %dma_wait3A_271] : memref<2x5x128x64xf32, #tpu.memory_space<vmem>> -> memref<1x5x128x64xf32, #tpu.memory_space<vmem>>
    %dma_wait3A_273 = tpu.memref_squeeze %dma_wait3A_272 : memref<1x5x128x64xf32, #tpu.memory_space<vmem>> -> memref<5x128x64xf32, #tpu.memory_space<vmem>>
    %dma_wait3A_274 = arith.constant 0 : i32
    %dma_wait3A_275 = arith.constant 0 : i32
    %dma_wait3A_276 = tpu.memref_slice %dma_wait3A_273[%dma_wait3A_255, %dma_wait3A_274, %dma_wait3A_275] : memref<5x128x64xf32, #tpu.memory_space<vmem>> -> memref<1x128x64xf32, #tpu.memory_space<vmem>>
    %dma_wait3A_277 = tpu.memref_squeeze %dma_wait3A_276 : memref<1x128x64xf32, #tpu.memory_space<vmem>> -> memref<128x64xf32, #tpu.memory_space<vmem>>
    tpu.wait_dma2 semaphore(%arg10 : memref<!tpu.dma_semaphore, #tpu.memory_space<semaphore_mem>>) src(%dma_wait3A_277 : memref<128x64xf32, #tpu.memory_space<vmem>>) dst(%dma_wait3A_268 : memref<128x64xf32, #tpu.memory_space<hbm>>)
    %add3A_278 = arith.constant 6016 : i32
    %add3A_279 = arith.addi %mul3A_2, %add3A_278 : i32
    %dma_wait3A_280 = arith.constant 1 : i32
    %dma_wait3A_281 = arith.constant 2 : i32
    %dma_wait3A_282 = arith.constant 0 : i32
    %dma_wait3A_283 = arith.constant 0 : i32
    %dma_wait3A_284 = arith.constant 0 : i32
    %dma_wait3A_285 = tpu.memref_slice %arg6[%dma_wait3A_280, %dma_wait3A_282, %dma_wait3A_283, %dma_wait3A_284] : memref<2x5x128x64xf32, #tpu.memory_space<vmem>> -> memref<1x5x128x64xf32, #tpu.memory_space<vmem>>
    %dma_wait3A_286 = tpu.memref_squeeze %dma_wait3A_285 : memref<1x5x128x64xf32, #tpu.memory_space<vmem>> -> memref<5x128x64xf32, #tpu.memory_space<vmem>>
    %dma_wait3A_287 = arith.constant 0 : i32
    %dma_wait3A_288 = arith.constant 0 : i32
    %dma_wait3A_289 = tpu.memref_slice %dma_wait3A_286[%dma_wait3A_281, %dma_wait3A_287, %dma_wait3A_288] : memref<5x128x64xf32, #tpu.memory_space<vmem>> -> memref<1x128x64xf32, #tpu.memory_space<vmem>>
    %dma_wait3A_290 = tpu.memref_squeeze %dma_wait3A_289 : memref<1x128x64xf32, #tpu.memory_space<vmem>> -> memref<128x64xf32, #tpu.memory_space<vmem>>
    %dma_wait3A_291 = arith.constant 0 : i32
    %dma_wait3A_292 = tpu.memref_slice %arg4[%add3A_279, %dma_wait3A_291] : memref<204800x64xf32, #tpu.memory_space<hbm>> -> memref<128x64xf32, #tpu.memory_space<hbm>>
    %dma_wait3A_293 = arith.constant 0 : i32
    %dma_wait3A_294 = tpu.memref_slice %arg4[%add3A_279, %dma_wait3A_293] : memref<204800x64xf32, #tpu.memory_space<hbm>> -> memref<128x64xf32, #tpu.memory_space<hbm>>
    %dma_wait3A_295 = arith.constant 0 : i32
    %dma_wait3A_296 = arith.constant 0 : i32
    %dma_wait3A_297 = arith.constant 0 : i32
    %dma_wait3A_298 = tpu.memref_slice %arg6[%dma_wait3A_280, %dma_wait3A_295, %dma_wait3A_296, %dma_wait3A_297] : memref<2x5x128x64xf32, #tpu.memory_space<vmem>> -> memref<1x5x128x64xf32, #tpu.memory_space<vmem>>
    %dma_wait3A_299 = tpu.memref_squeeze %dma_wait3A_298 : memref<1x5x128x64xf32, #tpu.memory_space<vmem>> -> memref<5x128x64xf32, #tpu.memory_space<vmem>>
    %dma_wait3A_300 = arith.constant 0 : i32
    %dma_wait3A_301 = arith.constant 0 : i32
    %dma_wait3A_302 = tpu.memref_slice %dma_wait3A_299[%dma_wait3A_281, %dma_wait3A_300, %dma_wait3A_301] : memref<5x128x64xf32, #tpu.memory_space<vmem>> -> memref<1x128x64xf32, #tpu.memory_space<vmem>>
    %dma_wait3A_303 = tpu.memref_squeeze %dma_wait3A_302 : memref<1x128x64xf32, #tpu.memory_space<vmem>> -> memref<128x64xf32, #tpu.memory_space<vmem>>
    tpu.wait_dma2 semaphore(%arg10 : memref<!tpu.dma_semaphore, #tpu.memory_space<semaphore_mem>>) src(%dma_wait3A_303 : memref<128x64xf32, #tpu.memory_space<vmem>>) dst(%dma_wait3A_294 : memref<128x64xf32, #tpu.memory_space<hbm>>)
    %add3A_304 = arith.constant 6144 : i32
    %add3A_305 = arith.addi %mul3A_2, %add3A_304 : i32
    %dma_wait3A_306 = arith.constant 1 : i32
    %dma_wait3A_307 = arith.constant 3 : i32
    %dma_wait3A_308 = arith.constant 0 : i32
    %dma_wait3A_309 = arith.constant 0 : i32
    %dma_wait3A_310 = arith.constant 0 : i32
    %dma_wait3A_311 = tpu.memref_slice %arg6[%dma_wait3A_306, %dma_wait3A_308, %dma_wait3A_309, %dma_wait3A_310] : memref<2x5x128x64xf32, #tpu.memory_space<vmem>> -> memref<1x5x128x64xf32, #tpu.memory_space<vmem>>
    %dma_wait3A_312 = tpu.memref_squeeze %dma_wait3A_311 : memref<1x5x128x64xf32, #tpu.memory_space<vmem>> -> memref<5x128x64xf32, #tpu.memory_space<vmem>>
    %dma_wait3A_313 = arith.constant 0 : i32
    %dma_wait3A_314 = arith.constant 0 : i32
    %dma_wait3A_315 = tpu.memref_slice %dma_wait3A_312[%dma_wait3A_307, %dma_wait3A_313, %dma_wait3A_314] : memref<5x128x64xf32, #tpu.memory_space<vmem>> -> memref<1x128x64xf32, #tpu.memory_space<vmem>>
    %dma_wait3A_316 = tpu.memref_squeeze %dma_wait3A_315 : memref<1x128x64xf32, #tpu.memory_space<vmem>> -> memref<128x64xf32, #tpu.memory_space<vmem>>
    %dma_wait3A_317 = arith.constant 0 : i32
    %dma_wait3A_318 = tpu.memref_slice %arg4[%add3A_305, %dma_wait3A_317] : memref<204800x64xf32, #tpu.memory_space<hbm>> -> memref<128x64xf32, #tpu.memory_space<hbm>>
    %dma_wait3A_319 = arith.constant 0 : i32
    %dma_wait3A_320 = tpu.memref_slice %arg4[%add3A_305, %dma_wait3A_319] : memref<204800x64xf32, #tpu.memory_space<hbm>> -> memref<128x64xf32, #tpu.memory_space<hbm>>
    %dma_wait3A_321 = arith.constant 0 : i32
    %dma_wait3A_322 = arith.constant 0 : i32
    %dma_wait3A_323 = arith.constant 0 : i32
    %dma_wait3A_324 = tpu.memref_slice %arg6[%dma_wait3A_306, %dma_wait3A_321, %dma_wait3A_322, %dma_wait3A_323] : memref<2x5x128x64xf32, #tpu.memory_space<vmem>> -> memref<1x5x128x64xf32, #tpu.memory_space<vmem>>
    %dma_wait3A_325 = tpu.memref_squeeze %dma_wait3A_324 : memref<1x5x128x64xf32, #tpu.memory_space<vmem>> -> memref<5x128x64xf32, #tpu.memory_space<vmem>>
    %dma_wait3A_326 = arith.constant 0 : i32
    %dma_wait3A_327 = arith.constant 0 : i32
    %dma_wait3A_328 = tpu.memref_slice %dma_wait3A_325[%dma_wait3A_307, %dma_wait3A_326, %dma_wait3A_327] : memref<5x128x64xf32, #tpu.memory_space<vmem>> -> memref<1x128x64xf32, #tpu.memory_space<vmem>>
    %dma_wait3A_329 = tpu.memref_squeeze %dma_wait3A_328 : memref<1x128x64xf32, #tpu.memory_space<vmem>> -> memref<128x64xf32, #tpu.memory_space<vmem>>
    tpu.wait_dma2 semaphore(%arg10 : memref<!tpu.dma_semaphore, #tpu.memory_space<semaphore_mem>>) src(%dma_wait3A_329 : memref<128x64xf32, #tpu.memory_space<vmem>>) dst(%dma_wait3A_320 : memref<128x64xf32, #tpu.memory_space<hbm>>)
    %add3A_330 = arith.constant 6272 : i32
    %add3A_331 = arith.addi %mul3A_2, %add3A_330 : i32
    %dma_wait3A_332 = arith.constant 1 : i32
    %dma_wait3A_333 = arith.constant 4 : i32
    %dma_wait3A_334 = arith.constant 0 : i32
    %dma_wait3A_335 = arith.constant 0 : i32
    %dma_wait3A_336 = arith.constant 0 : i32
    %dma_wait3A_337 = tpu.memref_slice %arg6[%dma_wait3A_332, %dma_wait3A_334, %dma_wait3A_335, %dma_wait3A_336] : memref<2x5x128x64xf32, #tpu.memory_space<vmem>> -> memref<1x5x128x64xf32, #tpu.memory_space<vmem>>
    %dma_wait3A_338 = tpu.memref_squeeze %dma_wait3A_337 : memref<1x5x128x64xf32, #tpu.memory_space<vmem>> -> memref<5x128x64xf32, #tpu.memory_space<vmem>>
    %dma_wait3A_339 = arith.constant 0 : i32
    %dma_wait3A_340 = arith.constant 0 : i32
    %dma_wait3A_341 = tpu.memref_slice %dma_wait3A_338[%dma_wait3A_333, %dma_wait3A_339, %dma_wait3A_340] : memref<5x128x64xf32, #tpu.memory_space<vmem>> -> memref<1x128x64xf32, #tpu.memory_space<vmem>>
    %dma_wait3A_342 = tpu.memref_squeeze %dma_wait3A_341 : memref<1x128x64xf32, #tpu.memory_space<vmem>> -> memref<128x64xf32, #tpu.memory_space<vmem>>
    %dma_wait3A_343 = arith.constant 0 : i32
    %dma_wait3A_344 = tpu.memref_slice %arg4[%add3A_331, %dma_wait3A_343] : memref<204800x64xf32, #tpu.memory_space<hbm>> -> memref<128x64xf32, #tpu.memory_space<hbm>>
    %dma_wait3A_345 = arith.constant 0 : i32
    %dma_wait3A_346 = tpu.memref_slice %arg4[%add3A_331, %dma_wait3A_345] : memref<204800x64xf32, #tpu.memory_space<hbm>> -> memref<128x64xf32, #tpu.memory_space<hbm>>
    %dma_wait3A_347 = arith.constant 0 : i32
    %dma_wait3A_348 = arith.constant 0 : i32
    %dma_wait3A_349 = arith.constant 0 : i32
    %dma_wait3A_350 = tpu.memref_slice %arg6[%dma_wait3A_332, %dma_wait3A_347, %dma_wait3A_348, %dma_wait3A_349] : memref<2x5x128x64xf32, #tpu.memory_space<vmem>> -> memref<1x5x128x64xf32, #tpu.memory_space<vmem>>
    %dma_wait3A_351 = tpu.memref_squeeze %dma_wait3A_350 : memref<1x5x128x64xf32, #tpu.memory_space<vmem>> -> memref<5x128x64xf32, #tpu.memory_space<vmem>>
    %dma_wait3A_352 = arith.constant 0 : i32
    %dma_wait3A_353 = arith.constant 0 : i32
    %dma_wait3A_354 = tpu.memref_slice %dma_wait3A_351[%dma_wait3A_333, %dma_wait3A_352, %dma_wait3A_353] : memref<5x128x64xf32, #tpu.memory_space<vmem>> -> memref<1x128x64xf32, #tpu.memory_space<vmem>>
    %dma_wait3A_355 = tpu.memref_squeeze %dma_wait3A_354 : memref<1x128x64xf32, #tpu.memory_space<vmem>> -> memref<128x64xf32, #tpu.memory_space<vmem>>
    tpu.wait_dma2 semaphore(%arg10 : memref<!tpu.dma_semaphore, #tpu.memory_space<semaphore_mem>>) src(%dma_wait3A_355 : memref<128x64xf32, #tpu.memory_space<vmem>>) dst(%dma_wait3A_346 : memref<128x64xf32, #tpu.memory_space<hbm>>)
    return
  }
}

</mosaic_0001>

<sc_bundles>
// kernel: kernel.3.cloned.1.call-start
scs
__scs_entry_jumppad:
0x0: {  	(pc) =	sbr.rel $0x88, $3  }
0x1: {  	(tag) =	ssettag $0x0;
	lr =	simm.s32 $0x1  }
0x2: {  	[smem:$0x3F9F] =	sst lr;
	_ =	strace $0xD0000000  }
0x3: {  	_ = 	snop  }
0x4: {  	_ = 	snop  }
0x5: {  	_ = 	snop  }
0x6: {  	_ = 	snop  }
0x7: {  	_ = 	snop  }
__scs_overlays_trampoline_lowered:
0x8: {  	[smem:$0x3FAE] =	sst s0  }
0x9: {  	[smem:$0x3FAF] =	sst s1  }
0xa: {  	[smem:$0x3FB0] =	sst s2  }
0xb: {  	[smem:$0x3FB1] =	sst s3  }
0xc: {  	[smem:$0x3FB2] =	sst s4  }
0xd: {  	[smem:$0x3FB3] =	sst s5  }
0xe: {  	[smem:$0x3FB4] =	sst s6  }
0xf: {  	[smem:$0x3FB5] =	sst s7  }
0x10: {  	[smem:$0x3FB6] =	sst s8  }
0x11: {  	[smem:$0x3FB7] =	sst s9;
	s0 =	simm.s32 @!p0 $0x0  }
0x12: {  	s1 =	sld [smem:$0x3F9D];
	s0 =	simm.s32 @p0 $0x1  }
0x13: {  	[smem:$0x3FB8] =	sst s0;
	s0 =	simm.s32 @!p1 $0x0  }
0x14: {  	s2 =	sld [smem:$0x3F9C];
	s0 =	simm.s32 @p1 $0x1  }
0x15: {  	[smem:$0x3FB9] =	sst s0;
	s0 =	simm.s32 @!p2 $0x0  }
0x16: {  	s3 =	sld [smem:$0x3FDB];
	s0 =	simm.s32 @p2 $0x1  }
0x17: {  	s4 =	simm.s32 $0x1BF5;
	[smem:$0x3FBB] =	sst s0  }
0x18: {  	s0 =	sld [smem:$0x3F9E];
	_ =	swait.ge [sflag:s4], $0x0  }
0x19: {  	s7 =	sld [smem:$0x3F9F]  }
0x1a: {  	s8 =	sadd.s32 $0xFFFFE003, lr  }
0x1b: {  	s9 =	sadd.s32 $0xFFFFFEF7, lr;
	s5 =	simm.s32 $0xFFFFFFFF;
	p2 =	slt.u32 s8, $0xFFFFF086  }
0x1c: {  	p1 =	slt.u32 s9, $0xF7A;
	s5 =	simm.s32 @!p2 $0x0  }
0x1d: {  	s5 =	simm.s32 @p1 $0x1;
	p0 =	seq.s32 s7, s2  }
0x1e: {  	s7 =	smul.u32 @!p0 $0xF7A, s2;
	p2 =	seq.s32 @!p0 s5, $0x0  }
0x1f: {  	s9 =	smul.u32 $0xF7A, s1;
	s8 =	simm.s32 @!p0 $0x1BF5;
	p2 =	por !p2, p0  }
0x20: {  	[sflag:s8] =	ssyncset.s32 @!p0 $0xFFFFF086;
	s6 =	sadd.s32 @!p0 s3, s7;
	s7 =	simm.s32 @!p0 $0x108  }
0x21: {  	s3 =	sadd.s32 s3, s9;
	s6 =	sadd.s32 @!p0 $0x88, s6;
	s7 =	simm.s32 @p2 $0x1082  }
0x22: {  	[simem:s7], [sflag:s8] =	dma.local @!p0 [hbm:s6], $0xF7A  }
0x23: {  	s9 =	sor.u32 $0xD0000000, s2;
	s6 =	simm.s32 $0x108;
	_ =	swait.ge @!p0 [sflag:s8], $0x0  }
0x24: {  	s3 =	sadd.s32 $0x88, s3;
	s6 =	simm.s32 @!p1 $0x1082;
	[sflag:s4] =	ssyncset.s32 $0xFFFFF086  }
0x25: {  	[simem:s6], [sflag:s4] =	dma.local [hbm:s3], $0xF7A  }
0x26: {  	[smem:$0x3F9F] =	sst s1;
	(tag) =	ssettag s2;
	_ =	strace s9  }
0x27: {  	s1 =	sld [smem:$0x3FAF]  }
0x28: {  	s2 =	sld [smem:$0x3FB0]  }
0x29: {  	s4 =	sld [smem:$0x3FB2]  }
0x2a: {  	p0 =	seq.s32 s5, $0x0;
	s5 =	sld [smem:$0x3FB3]  }
0x2b: {  	s6 =	sld [smem:$0x3FB4]  }
0x2c: {  	s7 =	sld [smem:$0x3FB5]  }
0x2d: {  	s3 =	simm.s32 $0x108;
	s8 =	sld [smem:$0x3FB6]  }
0x2e: {  	s3 =	simm.s32 @!p0 $0x1082;
	s9 =	sld [smem:$0x3FB7]  }
0x2f: {  	lr =	sadd.s32 s0, s3;
	s0 =	sld [smem:$0x3FAE]  }
0x30: {  	s3 =	sld [smem:$0x3FB1]  }
0x31: {  	[smem:$0x3FBA] =	sst s10  }
0x32: {  	s10 =	sld [smem:$0x3FB8];
	_ =	sdelay $0x3  }
0x33: {  	p0 =	seq.s32 s10, $0x1;
	s10 =	sld [smem:$0x3FBA];
	_ =	sdelay $0x3  }
0x34: {  	[smem:$0x3FBA] =	sst s10  }
0x35: {  	s10 =	sld [smem:$0x3FB9];
	_ =	sdelay $0x3  }
0x36: {  	p1 =	seq.s32 s10, $0x1;
	s10 =	sld [smem:$0x3FBA];
	_ =	sdelay $0x3  }
0x37: {  	[smem:$0x3FBA] =	sst s10  }
0x38: {  	s10 =	sld [smem:$0x3FBB]  }
0x39: {  	_ = 	snop;
	(pc) =	sbr.ind lr, $3  }
0x3a: {  	_ = 	snop  }
0x3b: {  	_ = 	snop  }
0x3c: {  	p2 =	seq.s32 s10, $0x1;
	s10 =	sld [smem:$0x3FBA]  }
0x3d: {  	_ =	shalt  }
0x3e: {  	_ =	shalt  }
0x3f: {  	_ =	shalt  }
0x40: {  	_ =	shalt  }
0x41: {  	_ =	shalt  }
0x42: {  	_ =	shalt  }
0x43: {  	_ =	shalt  }
0x44: {  	_ =	shalt  }
0x45: {  	_ =	shalt  }
0x46: {  	_ =	shalt  }
0x47: {  	_ =	shalt  }
0x48: {  	_ =	shalt  }
0x49: {  	_ =	shalt  }
0x4a: {  	_ =	shalt  }
0x4b: {  	_ =	shalt  }
0x4c: {  	_ =	shalt  }
0x4d: {  	_ =	shalt  }
0x4e: {  	_ =	shalt  }
0x4f: {  	_ =	shalt  }
0x50: {  	_ =	shalt  }
0x51: {  	_ =	shalt  }
0x52: {  	_ =	shalt  }
0x53: {  	_ =	shalt  }
0x54: {  	_ =	shalt  }
0x55: {  	_ =	shalt  }
0x56: {  	_ =	shalt  }
0x57: {  	_ =	shalt  }
0x58: {  	_ =	shalt  }
0x59: {  	_ =	shalt  }
0x5a: {  	_ =	shalt  }
0x5b: {  	_ =	shalt  }
0x5c: {  	_ =	shalt  }
0x5d: {  	_ =	shalt  }
0x5e: {  	_ =	shalt  }
0x5f: {  	_ =	shalt  }
0x60: {  	_ =	shalt  }
0x61: {  	_ =	shalt  }
0x62: {  	_ =	shalt  }
0x63: {  	_ =	shalt  }
0x64: {  	_ =	shalt  }
0x65: {  	_ =	shalt  }
0x66: {  	_ =	shalt  }
0x67: {  	_ =	shalt  }
0x68: {  	_ =	shalt  }
0x69: {  	_ =	shalt  }
0x6a: {  	_ =	shalt  }
0x6b: {  	_ =	shalt  }
0x6c: {  	_ =	shalt  }
0x6d: {  	_ =	shalt  }
0x6e: {  	_ =	shalt  }
0x6f: {  	_ =	shalt  }
0x70: {  	_ =	shalt  }
0x71: {  	_ =	shalt  }
0x72: {  	_ =	shalt  }
0x73: {  	_ =	shalt  }
0x74: {  	_ =	shalt  }
0x75: {  	_ =	shalt  }
0x76: {  	_ =	shalt  }
0x77: {  	_ =	shalt  }
0x78: {  	_ =	shalt  }
0x79: {  	_ =	shalt  }
0x7a: {  	_ =	shalt  }
0x7b: {  	_ =	shalt  }
0x7c: {  	_ =	shalt  }
0x7d: {  	_ =	shalt  }
0x7e: {  	_ =	shalt  }
0x7f: {  	_ =	shalt  }
0x80: {  	_ =	shalt  }
0x81: {  	_ =	shalt  }
0x82: {  	_ =	shalt  }
0x83: {  	_ =	shalt  }
0x84: {  	_ =	shalt  }
0x85: {  	_ =	shalt  }
0x86: {  	_ =	shalt  }
0x87: {  	_ =	shalt  }
.Lfunc_end0:
.L_simem_size_0:
called_computation.1_lowered:
.L_overlay_start_0:
0x88: {  	s2 =	sld [smem:$0x3FD9]  }
0x89: {  	s3 =	sld [smem:$0x3FFE];
	_ =	sdelay $0x1  }
0x8a: {  	s1 =	srdreg.scid  }
0x8b: {  	s0 =	sand.u32 $0x1, s1  }
0x8c: {  	s17 =	sshll.u32 s0, $0xA;
	s2 =	sadd.s32 s3, s2  }
0x8d: {  	s2 =	sadd.s32 s2, s17  }
0x8e: {  	[smem:$0x3FC6] =	sst s2  }
0x8f: {  	_ = 	snop  }
0x90: {  	s2 =	sld [smem:$0x3FD0];
	(tm) =	ssettm $0x1  }
0x91: {  	s18 =	sld [smem:$0x3FFB];
	_ =	sdelay $0x3  }
0x92: {  	_ =	strace s18  }
0x93: {  	s3 =	sld [smem:$0x3FFC];
	_ =	sdelay $0x3  }
0x94: {  	_ =	strace s3  }
0x95: {  	s3 =	sld [smem:$0x3FFD];
	_ =	sdelay $0x3  }
0x96: {  	_ =	strace s3  }
0x97: {  	_ =	strace $0x8FFFFFFF  }
0x98: {  	s19 =	sld [smem:$0x3FDB];
	_ =	sdelay $0x1  }
0x99: {  	s4 =	simm.s32 $_scs_section_size  }
0x9a: {  	s5 =	simm.s32 $_size__tile_overlayer_lowered;
	s6 =	simm.s32 $_tile_overlayer_lowered  }
0x9b: {  	s22 =	simm.s32 $0x1BFF;
	s21 =	sshll.u32 s6, $0x1;
	s3 =	sadd.s32 s4, s19  }
0x9c: {  	s7 =	simm.s32 $0x0;
	s20 =	sshll.u32 s5, $0x1;
	s5 =	sadd.s32 s21, s3  }
0x9d: {  	[timem:s7], [sflag:s22] =	dma.local [hbm:s5], s20  }
0x9e: {  	_ =	swait.ge [sflag:s22], s20  }
0x9f: {  	s4 =	ssub.s32 $0x0, s20;
	[sflag:s22] =	ssyncset.done $0x0  }
0xa0: {  	[sflag:s22] =	ssyncadd.s32 s4;
	_ =	sdelay $0x1  }
0xa1: {  	s23 =	simm.s32 $0x1B8B  }
0xa2: {  	_ =	swait.ge [sflag:s23], $0x1  }
0xa3: {  	[sflag:s23] =	ssyncset.done $0x0  }
0xa4: {  	s25 =	simm.s32 $0x1B8E;
	s24 =	sld [smem:$0x3FFE];
	[sflag:s23] =	ssyncadd.s32 $0xFFFFFFFF  }
0xa5: {  	s26 =	simm.s32 $execute0_lowered;
	[smem:$0x3FD2] =	sst s25  }
0xa6: {  	s5 =	sshll.u32 s26, $0x1;
	_ =	strace $0x80000046;
	[dreg:$0x1] =	wrdreg $0xFFFFFFFF  }
0xa7: {  	s28 =	simm.s32 $_size_execute0_lowered;
	s3 =	sadd.s32 s3, s5;
	[dreg:$0x0] =	wrdreg $0x0  }
0xa8: {  	s5 =	sshll.u32 s28, $0x1;
	[dreg:$0x2] =	wrdreg s3  }
0xa9: {  	[dreg:$0x3] =	wrdreg s5  }
0xaa: {  	[dreg:$0x4] =	wrdreg $0xC0  }
0xab: {  	_ =	task [dreg:s7], $0x5FFFF  }
0xac: {  	[dreg:$0x1] =	wrdreg $0xFFFFFFFF  }
0xad: {  	[dreg:$0x0] =	wrdreg $0x60  }
0xae: {  	[dreg:$0x2] =	wrdreg s24  }
0xaf: {  	[dreg:$0x3] =	wrdreg s2  }
0xb0: {  	[dreg:$0x4] =	wrdreg $0x9  }
0xb1: {  	_ =	task.clear_ibuf [dreg:s7], $0x5FFFF;
	_ =	strace $0x90000046  }
0xb2: {  	s29 =	simm.s32 $0x9;
	_ =	strace $0x80000048  }
0xb3: {  	_ =	swait.ge [sflag:s29], $0x1  }
0xb4: {  	[sflag:s29] =	ssyncadd.s32 $0xFFFFFFFF  }
0xb5: {  	_ =	strace $0x90000048  }
0xb6: {  	_ =	sfence  }
0xb7: {  	s30 =	sld [smem:$0x0];
	_ =	sdelay $0x2  }
0xb8: {  	s31 =	sshll.u32 s1, $0xD;
	s1 =	sshrl.u32 s1, $0x2  }
0xb9: {  	s3 =	sand.u32 $0x4000, s31;
	s1 =	sadd.s32 s1, s30  }
0xba: {  	s0 =	sor.u32 s3, s0;
	s1 =	sshll.u32 s1, $0x11  }
0xbb: {  	s0 =	sor.u32 s1, s0  }
0xbc: {  	s0 =	sadd.s32 $0x8F2B, s0  }
0xbd: {  	[sflag:s0] =	ssyncadd.remote.s32 $0x1  }
0xbe: {  	_ =	sfence.sel $0xFFFF  }
0xbf: {  	[dreg:$0x0] =	wrdreg $0xFFFFFFFF;
	(pc) =	sbr.abs _section_cstart, $3  }
0xc0: {  	[dreg:$0x1] =	wrdreg $0xFFFFFFFF  }
0xc1: {  	_ =	task.clear_ibuf [dreg:s7], $0x2FFFF;
	_ =	strace $0x9FFFFFFF  }
0xc2: {  	(tm) =	ssettm $0x7FFFFFFF  }
0xc3: {  	_ =	shalt  }
tec
execute0_lowered:
.L_overlay_start_1:
0x0: {  	(tag) =	ssettag $0x1  }
0x1: {  	s1 =	srdreg.scid;
	s4 =	rddreg [dreg:$0x0]  }
0x2: {  	s0 =	stileid.u32;
	s2 =	rddreg [dreg:$0x1]  }
0x3: {  	s10 =	simm.s32 $0x3900;
	s12 =	simm.s32 $0x5900;
	s5 =	smul.u32 $0x3200, s0  }
0x4: {  	s1 =	sand.u32 $0x1, s1;
	s3 =	sshll.u32 s0, $0x1;
	s19 =	smul.u32 $0x19000, s0  }
0x5: {  	s14 =	simm.s32 $0x7900;
	s6 =	smul.u32 $0x1900, s1;
	s7 =	sor.u32 s1, s3  }
0x6: {  	s3 =	simm.s32 $0x0;
	s9 =	smul.u32 $0xC800, s1;
	s1 =	ssub.s32 $0x2, s1  }
0x7: {  	s7 =	smul.u32 $0x1900, s7;
	[smem:$0x7FF] =	sst s3;
	s24 =	sshrl.u32 s1, $0x1  }
0x8: {  	s5 =	sadd.s32 s6, s5;
	_ =	strace $0x80000047;
	s22 =	sadd.s32 s9, s19  }
0x9: {  	s1 =	ssub.s32 s1, s24;
	s9 =	simm.s32 $0x1900;
	s19 =	simm.s32 $0xF900  }
0xa: {  	s8 =	sshll.u32 s5, $0x3;
	[dreg:$0x7] =	wrdreg s22;
	s30 =	smax.u32 s1, $0x1  }
0xb: {  	s24 =	simm.s32 $0x3;
	s17 =	sadd.s32 $0x1000, s8;
	[dreg:$0xe] =	wrdreg s30  }
0xc: {  	s16 =	sshrl.u32 s7, $0x3;
	s18 =	sadd.s32 $0xC00, s8;
	[dreg:$0x3] =	wrdreg s17  }
0xd: {  	s7 =	simm.s32 $0x5;
	s20 =	sadd.s32 $0x800, s8;
	[dreg:$0x4] =	wrdreg s18  }
0xe: {  	s22 =	simm.s32 $0x1;
	s21 =	sor.u32 $0x400, s8;
	[dreg:$0x5] =	wrdreg s20  }
0xf: {  	s5 =	sadd.s32 s16, s4;
	s23 =	sadd.s32 $0x1400, s8;
	[dreg:$0x6] =	wrdreg s21  }
0x10: {  	s4 =	sadd.s32 $0x6C00, s4;
	s25 =	sadd.s32 $0x2400, s8;
	[dreg:$0x8] =	wrdreg s23  }
0x11: {  	s26 =	sadd.s32 $0x2000, s8;
	s29 =	sadd.s32 $0x1C00, s8;
	[dreg:$0x9] =	wrdreg s25  }
0x12: {  	s31 =	sadd.s32 $0x1800, s8;
	s8 =	simm.s32 $0x80;
	[dreg:$0xa] =	wrdreg s26  }
0x13: {  	s16 =	simm.s32 $0x9900;
	s28 =	sadd.s32 $0x800, s5;
	[dreg:$0xb] =	wrdreg s29  }
0x14: {  	[dreg:$0xc] =	wrdreg s31;
	s17 =	simm.s32 $0xB900;
	s18 =	simm.s32 $0xD900  }
0x15: {  	s20 =	simm.s32 $0x11900;
	s21 =	simm.s32 $0x13900;
	s23 =	simm.s32 $0x2  }
0x16: {  	s25 =	simm.s32 $0x4;
	s26 =	simm.s32 $0x0;
	[dreg:$0xd] =	wrdreg s28  }
.LBB2_1:
0x17: {  	s0 =	rddreg [dreg:$0xd]  }
0x18: {  	[tilespmem:s3], [sflag:$0x5] =	stream.linear.gather [hbm4b:s0+s3], $0x1900, $0x38;
	[tilespmem:$0x15900] =	vst v63  }
0x19: {  	_ =	swait.ge [sflag:s7], $0x1900  }
0x1a: {  	[sflag:s7] =	ssyncset.done $0x0  }
0x1b: {  	[sflag:s7] =	ssyncadd.s32 $0xFFFFE700  }
0x1c: {  	[tilespmem:s9], [sflag:$0x1] =	stream.indirect.gather [hbm4b:s4+s8], $0x40, s3, s8, $0xb8;
	[tilespmem:$0x15900] =	vst v63  }
0x1d: {  	_ = 	snop  }
0x1e: {  	[tilespmem:s10], [sflag:$0x1] =	stream.indirect.gather [hbm4b:s4+s8], $0x40, s8, s8, $0xb8;
	[tilespmem:$0x15900] =	vst v63  }
0x1f: {  	s31 =	simm.s32 $0x100;
	p0 =	por $0x1, $0x1  }
0x20: {  	[tilespmem:s12], [sflag:$0x1] =	stream.indirect.gather [hbm4b:s4+s8], $0x40, s31, s8, $0xb8;
	[tilespmem:$0x15900] =	vst v63  }
0x21: {  	s1 =	simm.s32 $0x180;
	p0 =	por p0, p0  }
0x22: {  	[tilespmem:s14], [sflag:$0x1] =	stream.indirect.gather [hbm4b:s4+s8], $0x40, s1, s8, $0xb8;
	[tilespmem:$0x15900] =	vst v63  }
0x23: {  	s5 =	simm.s32 $0x200;
	s1 =	simm.s32 @!p0 $0x4  }
0x24: {  	[tilespmem:s16], [sflag:$0x1] =	stream.indirect.gather [hbm4b:s4+s8], $0x40, s5, s8, $0xb8;
	[tilespmem:$0x15900] =	vst v63  }
0x25: {  	_ =	swait.ge @!p0 [sflag:s1], $0x2000  }
0x26: {  	[sflag:s1] =	ssyncset.done @!p0 $0x0  }
0x27: {  	[sflag:s1] =	ssyncadd.s32 @!p0 $0xFFFFE000  }
0x28: {  	_ =	swait.ge @!p0 [sflag:s1], $0x2000  }
0x29: {  	[sflag:s1] =	ssyncset.done @!p0 $0x0  }
0x2a: {  	[sflag:s1] =	ssyncadd.s32 @!p0 $0xFFFFE000  }
0x2b: {  	_ =	swait.ge @!p0 [sflag:s1], $0x2000  }
0x2c: {  	[sflag:s1] =	ssyncset.done @!p0 $0x0  }
0x2d: {  	[sflag:s1] =	ssyncadd.s32 @!p0 $0xFFFFE000  }
0x2e: {  	_ =	swait.ge @!p0 [sflag:s1], $0x2000  }
0x2f: {  	[sflag:s1] =	ssyncset.done @!p0 $0x0  }
0x30: {  	[sflag:s1] =	ssyncadd.s32 @!p0 $0xFFFFE000  }
0x31: {  	_ =	swait.ge @!p0 [sflag:s1], $0x2000  }
0x32: {  	[sflag:s1] =	ssyncset.done @!p0 $0x0  }
0x33: {  	s6 =	simm.s32 $0x280;
	[sflag:s1] =	ssyncadd.s32 @!p0 $0xFFFFE000  }
0x34: {  	[tilespmem:s17], [sflag:$0x2] =	stream.indirect.gather [hbm4b:s4+s8], $0x40, s6, s8, $0xb8;
	[tilespmem:$0x15900] =	vst v63  }
0x35: {  	s11 =	simm.s32 $0x300  }
0x36: {  	[tilespmem:s18], [sflag:$0x2] =	stream.indirect.gather [hbm4b:s4+s8], $0x40, s11, s8, $0xb8;
	[tilespmem:$0x15900] =	vst v63  }
0x37: {  	s13 =	simm.s32 $0x380  }
0x38: {  	[tilespmem:s19], [sflag:$0x2] =	stream.indirect.gather [hbm4b:s4+s8], $0x40, s13, s8, $0xb8;
	[tilespmem:$0x15900] =	vst v63  }
0x39: {  	s15 =	simm.s32 $0x400  }
0x3a: {  	[tilespmem:s20], [sflag:$0x2] =	stream.indirect.gather [hbm4b:s4+s8], $0x40, s15, s8, $0xb8;
	[tilespmem:$0x15900] =	vst v63  }
0x3b: {  	s31 =	simm.s32 $0x480  }
0x3c: {  	[tilespmem:s21], [sflag:$0x2] =	stream.indirect.gather [hbm4b:s4+s8], $0x40, s31, s8, $0xb8;
	[tilespmem:$0x15900] =	vst v63  }
0x3d: {  	_ =	swait.ge [sflag:s22], $0x2000  }
0x3e: {  	[sflag:s22] =	ssyncset.done $0x0  }
0x3f: {  	[sflag:s22] =	ssyncadd.s32 $0xFFFFE000  }
0x40: {  	_ =	swait.ge [sflag:s22], $0x2000  }
0x41: {  	[sflag:s22] =	ssyncset.done $0x0  }
0x42: {  	[sflag:s22] =	ssyncadd.s32 $0xFFFFE000  }
0x43: {  	_ =	swait.ge [sflag:s22], $0x2000  }
0x44: {  	[sflag:s22] =	ssyncset.done $0x0  }
0x45: {  	[sflag:s22] =	ssyncadd.s32 $0xFFFFE000  }
0x46: {  	_ =	swait.ge [sflag:s22], $0x2000  }
0x47: {  	[sflag:s22] =	ssyncset.done $0x0  }
0x48: {  	[sflag:s22] =	ssyncadd.s32 $0xFFFFE000  }
0x49: {  	_ =	swait.ge [sflag:s22], $0x2000  }
0x4a: {  	s0 =	rddreg [dreg:$0x7];
	[sflag:s22] =	ssyncset.done $0x0  }
0x4b: {  	s28 =	rddreg [dreg:$0x6];
	[sflag:s22] =	ssyncadd.s32 $0xFFFFE000;
	s1 =	sadd.s32 s2, s0  }
0x4c: {  	[hbm4b:s1+s3] =	stream.linear.scatter [tilespmem:s9], [sflag:$0x3], $0x2000, $0x38;
	[tilespmem:$0x15900] =	vst v63  }
0x4d: {  	s29 =	rddreg [dreg:$0x5];
	s5 =	sadd.s32 s2, s28  }
0x4e: {  	[hbm4b:s5+s3] =	stream.linear.scatter [tilespmem:s10], [sflag:$0x3], $0x2000, $0x38;
	[tilespmem:$0x15900] =	vst v63  }
0x4f: {  	s28 =	rddreg [dreg:$0x4];
	s6 =	sadd.s32 s2, s29  }
0x50: {  	[hbm4b:s6+s3] =	stream.linear.scatter [tilespmem:s12], [sflag:$0x3], $0x2000, $0x38;
	[tilespmem:$0x15900] =	vst v63  }
0x51: {  	p0 =	por $0x0, $0x0;
	s29 =	rddreg [dreg:$0x3];
	s11 =	sadd.s32 s2, s28  }
0x52: {  	[hbm4b:s11+s3] =	stream.linear.scatter [tilespmem:s14], [sflag:$0x3], $0x2000, $0x38;
	[tilespmem:$0x15900] =	vst v63  }
0x53: {  	s13 =	sadd.s32 s2, s29;
	s1 =	simm.s32 @!p0 $0x3  }
0x54: {  	[hbm4b:s13+s3] =	stream.linear.scatter [tilespmem:s16], [sflag:$0x3], $0x2000, $0x38;
	[tilespmem:$0x15900] =	vst v63  }
0x55: {  	_ =	swait.ge @!p0 [sflag:s1], $0x2000  }
0x56: {  	[sflag:s1] =	ssyncset.done @!p0 $0x0  }
0x57: {  	[sflag:s1] =	ssyncadd.s32 @!p0 $0xFFFFE000  }
0x58: {  	_ =	swait.ge @!p0 [sflag:s1], $0x2000  }
0x59: {  	[sflag:s1] =	ssyncset.done @!p0 $0x0  }
0x5a: {  	[sflag:s1] =	ssyncadd.s32 @!p0 $0xFFFFE000  }
0x5b: {  	_ =	swait.ge @!p0 [sflag:s1], $0x2000  }
0x5c: {  	[sflag:s1] =	ssyncset.done @!p0 $0x0  }
0x5d: {  	[sflag:s1] =	ssyncadd.s32 @!p0 $0xFFFFE000  }
0x5e: {  	_ =	swait.ge @!p0 [sflag:s1], $0x2000  }
0x5f: {  	[sflag:s1] =	ssyncset.done @!p0 $0x0  }
0x60: {  	[sflag:s1] =	ssyncadd.s32 @!p0 $0xFFFFE000  }
0x61: {  	_ =	swait.ge @!p0 [sflag:s1], $0x2000  }
0x62: {  	s30 =	simm.s32 @!p0 $0x1900;
	[sflag:s1] =	ssyncset.done @!p0 $0x0  }
0x63: {  	s28 =	simm.s32 @!p0 $0x500;
	s29 =	simm.s32 @!p0 $0x80;
	[sflag:s1] =	ssyncadd.s32 @!p0 $0xFFFFE000  }
0x64: {  	[tilespmem:s30], [sflag:$0x1] =	stream.indirect.gather @!p0 [hbm4b:s4+s29], $0x40, s28, s29, $0xb8;
	[tilespmem:$0x15900] =	vst v63  }
0x65: {  	s1 =	simm.s32 @!p0 $0x580;
	s28 =	simm.s32 @!p0 $0x3900  }
0x66: {  	[tilespmem:s28], [sflag:$0x1] =	stream.indirect.gather @!p0 [hbm4b:s4+s29], $0x40, s1, s29, $0xb8;
	[tilespmem:$0x15900] =	vst v63  }
0x67: {  	s1 =	simm.s32 @!p0 $0x600;
	s28 =	simm.s32 @!p0 $0x5900  }
0x68: {  	[tilespmem:s28], [sflag:$0x1] =	stream.indirect.gather @!p0 [hbm4b:s4+s29], $0x40, s1, s29, $0xb8;
	[tilespmem:$0x15900] =	vst v63  }
0x69: {  	s1 =	simm.s32 @!p0 $0x680;
	s28 =	simm.s32 @!p0 $0x7900  }
0x6a: {  	[tilespmem:s28], [sflag:$0x1] =	stream.indirect.gather @!p0 [hbm4b:s4+s29], $0x40, s1, s29, $0xb8;
	[tilespmem:$0x15900] =	vst v63  }
0x6b: {  	s1 =	simm.s32 @!p0 $0x700;
	s28 =	simm.s32 @!p0 $0x9900  }
0x6c: {  	[tilespmem:s28], [sflag:$0x1] =	stream.indirect.gather @!p0 [hbm4b:s4+s29], $0x40, s1, s29, $0xb8;
	[tilespmem:$0x15900] =	vst v63  }
0x6d: {  	_ =	swait.ge [sflag:s23], $0x2000  }
0x6e: {  	[sflag:s23] =	ssyncset.done $0x0  }
0x6f: {  	[sflag:s23] =	ssyncadd.s32 $0xFFFFE000  }
0x70: {  	_ =	swait.ge [sflag:s23], $0x2000  }
0x71: {  	[sflag:s23] =	ssyncset.done $0x0  }
0x72: {  	[sflag:s23] =	ssyncadd.s32 $0xFFFFE000  }
0x73: {  	_ =	swait.ge [sflag:s23], $0x2000  }
0x74: {  	[sflag:s23] =	ssyncset.done $0x0  }
0x75: {  	[sflag:s23] =	ssyncadd.s32 $0xFFFFE000  }
0x76: {  	_ =	swait.ge [sflag:s23], $0x2000  }
0x77: {  	[sflag:s23] =	ssyncset.done $0x0  }
0x78: {  	[sflag:s23] =	ssyncadd.s32 $0xFFFFE000  }
0x79: {  	_ =	swait.ge [sflag:s23], $0x2000  }
0x7a: {  	s15 =	rddreg [dreg:$0x8];
	[sflag:s23] =	ssyncset.done $0x0  }
0x7b: {  	s28 =	rddreg [dreg:$0xc];
	[sflag:s23] =	ssyncadd.s32 $0xFFFFE000;
	s1 =	sadd.s32 s2, s15  }
0x7c: {  	[hbm4b:s1+s3] =	stream.linear.scatter [tilespmem:s17], [sflag:$0x4], $0x2000, $0x38;
	[tilespmem:$0x15900] =	vst v63  }
0x7d: {  	p6 =	por $0x0, $0x0;
	s29 =	rddreg [dreg:$0xb];
	s28 =	sadd.s32 s2, s28  }
0x7e: {  	[hbm4b:s28+s3] =	stream.linear.scatter [tilespmem:s18], [sflag:$0x4], $0x2000, $0x38;
	[tilespmem:$0x15900] =	vst v63  }
0x7f: {  	s30 =	simm.s32 $0x2800;
	s31 =	rddreg [dreg:$0xa];
	s28 =	sadd.s32 s2, s29  }
0x80: {  	[hbm4b:s28+s3] =	stream.linear.scatter [tilespmem:s19], [sflag:$0x4], $0x2000, $0x38;
	[tilespmem:$0x15900] =	vst v63  }
0x81: {  	p0 =	por p6, p6;
	s1 =	sadd.s32 s2, s31;
	s28 =	rddreg [dreg:$0x9]  }
0x82: {  	[hbm4b:s1+s3] =	stream.linear.scatter [tilespmem:s20], [sflag:$0x4], $0x2000, $0x38;
	[tilespmem:$0x15900] =	vst v63  }
0x83: {  	s29 =	simm.s32 $0x1400;
	s1 =	sadd.s32 s2, s28;
	s28 =	sadd.s32 $0x2800, s2  }
.LBB2_2:
0x84: {  	s0 =	simm.s32 @!p0 $0x4  }
0x85: {  	[hbm4b:s1+s3] =	stream.linear.scatter [tilespmem:s21], [sflag:$0x4], $0x2000, $0x38;
	[tilespmem:$0x15900] =	vst v63  }
0x86: {  	_ =	swait.ge @!p0 [sflag:s0], $0x2000  }
0x87: {  	[sflag:s0] =	ssyncset.done @!p0 $0x0  }
0x88: {  	[sflag:s0] =	ssyncadd.s32 @!p0 $0xFFFFE000  }
0x89: {  	_ =	swait.ge @!p0 [sflag:s0], $0x2000  }
0x8a: {  	[sflag:s0] =	ssyncset.done @!p0 $0x0  }
0x8b: {  	[sflag:s0] =	ssyncadd.s32 @!p0 $0xFFFFE000  }
0x8c: {  	_ =	swait.ge @!p0 [sflag:s0], $0x2000  }
0x8d: {  	[sflag:s0] =	ssyncset.done @!p0 $0x0  }
0x8e: {  	[sflag:s0] =	ssyncadd.s32 @!p0 $0xFFFFE000  }
0x8f: {  	_ =	swait.ge @!p0 [sflag:s0], $0x2000  }
0x90: {  	[sflag:s0] =	ssyncset.done @!p0 $0x0  }
0x91: {  	[sflag:s0] =	ssyncadd.s32 @!p0 $0xFFFFE000  }
0x92: {  	_ =	swait.ge @!p0 [sflag:s0], $0x2000  }
0x93: {  	s11 =	sshra.s32 s29, $0x2;
	[sflag:s0] =	ssyncset.done @!p0 $0x0  }
0x94: {  	s13 =	sadd.s32 $0x280, s11;
	[sflag:s0] =	ssyncadd.s32 @!p0 $0xFFFFE000  }
0x95: {  	[tilespmem:s17], [sflag:$0x2] =	stream.indirect.gather [hbm4b:s4+s8], $0x40, s13, s8, $0xb8;
	[tilespmem:$0x15900] =	vst v63  }
0x96: {  	s15 =	sadd.s32 $0x300, s11  }
0x97: {  	[tilespmem:s18], [sflag:$0x2] =	stream.indirect.gather [hbm4b:s4+s8], $0x40, s15, s8, $0xb8;
	[tilespmem:$0x15900] =	vst v63  }
0x98: {  	s5 =	sadd.s32 $0x380, s11  }
0x99: {  	[tilespmem:s19], [sflag:$0x2] =	stream.indirect.gather [hbm4b:s4+s8], $0x40, s5, s8, $0xb8;
	[tilespmem:$0x15900] =	vst v63  }
0x9a: {  	s6 =	sadd.s32 $0x400, s11  }
0x9b: {  	[tilespmem:s20], [sflag:$0x2] =	stream.indirect.gather [hbm4b:s4+s8], $0x40, s6, s8, $0xb8;
	[tilespmem:$0x15900] =	vst v63  }
0x9c: {  	s11 =	sadd.s32 $0x480, s11  }
0x9d: {  	[tilespmem:s21], [sflag:$0x2] =	stream.indirect.gather [hbm4b:s4+s8], $0x40, s11, s8, $0xb8;
	[tilespmem:$0x15900] =	vst v63  }
0x9e: {  	_ =	swait.ge [sflag:s22], $0x2000  }
0x9f: {  	[sflag:s22] =	ssyncset.done $0x0  }
0xa0: {  	[sflag:s22] =	ssyncadd.s32 $0xFFFFE000  }
0xa1: {  	_ =	swait.ge [sflag:s22], $0x2000  }
0xa2: {  	[sflag:s22] =	ssyncset.done $0x0  }
0xa3: {  	[sflag:s22] =	ssyncadd.s32 $0xFFFFE000  }
0xa4: {  	_ =	swait.ge [sflag:s22], $0x2000  }
0xa5: {  	[sflag:s22] =	ssyncset.done $0x0  }
0xa6: {  	[sflag:s22] =	ssyncadd.s32 $0xFFFFE000  }
0xa7: {  	_ =	swait.ge [sflag:s22], $0x2000  }
0xa8: {  	[sflag:s22] =	ssyncset.done $0x0  }
0xa9: {  	[sflag:s22] =	ssyncadd.s32 $0xFFFFE000  }
0xaa: {  	_ =	swait.ge [sflag:s22], $0x2000  }
0xab: {  	s13 =	rddreg [dreg:$0x7];
	[sflag:s22] =	ssyncset.done $0x0  }
0xac: {  	s15 =	rddreg [dreg:$0x6];
	[sflag:s22] =	ssyncadd.s32 $0xFFFFE000;
	s0 =	sadd.s32 s28, s13  }
0xad: {  	[hbm4b:s0+s3] =	stream.linear.scatter [tilespmem:s9], [sflag:$0x3], $0x2000, $0x38;
	[tilespmem:$0x15900] =	vst v63  }
0xae: {  	p2 =	seq.s32 s30, $0x0;
	s11 =	rddreg [dreg:$0x5];
	s5 =	sadd.s32 s28, s15  }
0xaf: {  	[hbm4b:s5+s3] =	stream.linear.scatter [tilespmem:s10], [sflag:$0x3], $0x2000, $0x38;
	[tilespmem:$0x15900] =	vst v63  }
0xb0: {  	p0 =	por p2, p2;
	s6 =	rddreg [dreg:$0x4];
	s13 =	sadd.s32 s28, s11  }
0xb1: {  	[hbm4b:s13+s3] =	stream.linear.scatter [tilespmem:s12], [sflag:$0x3], $0x2000, $0x38;
	[tilespmem:$0x15900] =	vst v63  }
0xb2: {  	p2 =	seq.s32 s29, $0x5000;
	s15 =	rddreg [dreg:$0x3];
	s5 =	sadd.s32 s28, s6  }
0xb3: {  	[hbm4b:s5+s3] =	stream.linear.scatter [tilespmem:s14], [sflag:$0x3], $0x2000, $0x38;
	[tilespmem:$0x15900] =	vst v63  }
0xb4: {  	s0 =	simm.s32 @!p2 $0x3;
	s6 =	sadd.s32 s28, s15  }
0xb5: {  	[hbm4b:s6+s3] =	stream.linear.scatter [tilespmem:s16], [sflag:$0x3], $0x2000, $0x38;
	[tilespmem:$0x15900] =	vst v63  }
0xb6: {  	_ =	swait.ge @!p2 [sflag:s0], $0x2000  }
0xb7: {  	[sflag:s0] =	ssyncset.done @!p2 $0x0  }
0xb8: {  	[sflag:s0] =	ssyncadd.s32 @!p2 $0xFFFFE000  }
0xb9: {  	_ =	swait.ge @!p2 [sflag:s0], $0x2000  }
0xba: {  	[sflag:s0] =	ssyncset.done @!p2 $0x0  }
0xbb: {  	[sflag:s0] =	ssyncadd.s32 @!p2 $0xFFFFE000  }
0xbc: {  	_ =	swait.ge @!p2 [sflag:s0], $0x2000  }
0xbd: {  	[sflag:s0] =	ssyncset.done @!p2 $0x0  }
0xbe: {  	[sflag:s0] =	ssyncadd.s32 @!p2 $0xFFFFE000  }
0xbf: {  	_ =	swait.ge @!p2 [sflag:s0], $0x2000  }
0xc0: {  	[sflag:s0] =	ssyncset.done @!p2 $0x0  }
0xc1: {  	[sflag:s0] =	ssyncadd.s32 @!p2 $0xFFFFE000  }
0xc2: {  	s1 =	sshra.s32 @!p2 s29, $0x2;
	_ =	swait.ge @!p2 [sflag:s0], $0x2000  }
0xc3: {  	s31 =	smov.u32 s30;
	s11 =	sadd.s32 @!p2 $0x500, s1;
	[sflag:s0] =	ssyncset.done @!p2 $0x0  }
0xc4: {  	s5 =	simm.s32 @!p2 $0x80;
	s6 =	simm.s32 @!p2 $0x1900;
	[sflag:s0] =	ssyncadd.s32 @!p2 $0xFFFFE000  }
0xc5: {  	[tilespmem:s6], [sflag:$0x1] =	stream.indirect.gather @!p2 [hbm4b:s4+s5], $0x40, s11, s5, $0xb8;
	[tilespmem:$0x15900] =	vst v63  }
0xc6: {  	s29 =	smov.u32 s31;
	s31 =	sadd.s32 @!p2 $0x580, s1;
	s0 =	simm.s32 @!p2 $0x3900  }
0xc7: {  	[tilespmem:s0], [sflag:$0x1] =	stream.indirect.gather @!p2 [hbm4b:s4+s5], $0x40, s31, s5, $0xb8;
	[tilespmem:$0x15900] =	vst v63  }
0xc8: {  	s13 =	sadd.s32 @!p2 $0x600, s1;
	s6 =	simm.s32 @!p2 $0x5900  }
0xc9: {  	[tilespmem:s6], [sflag:$0x1] =	stream.indirect.gather @!p2 [hbm4b:s4+s5], $0x40, s13, s5, $0xb8;
	[tilespmem:$0x15900] =	vst v63  }
0xca: {  	s15 =	sadd.s32 @!p2 $0x680, s1;
	s0 =	simm.s32 @!p2 $0x7900  }
0xcb: {  	[tilespmem:s0], [sflag:$0x1] =	stream.indirect.gather @!p2 [hbm4b:s4+s5], $0x40, s15, s5, $0xb8;
	[tilespmem:$0x15900] =	vst v63  }
0xcc: {  	s1 =	sadd.s32 @!p2 $0x700, s1;
	s6 =	simm.s32 @!p2 $0x9900  }
0xcd: {  	[tilespmem:s6], [sflag:$0x1] =	stream.indirect.gather @!p2 [hbm4b:s4+s5], $0x40, s1, s5, $0xb8;
	[tilespmem:$0x15900] =	vst v63  }
0xce: {  	_ =	swait.ge [sflag:s23], $0x2000  }
0xcf: {  	[sflag:s23] =	ssyncset.done $0x0  }
0xd0: {  	[sflag:s23] =	ssyncadd.s32 $0xFFFFE000  }
0xd1: {  	_ =	swait.ge [sflag:s23], $0x2000  }
0xd2: {  	[sflag:s23] =	ssyncset.done $0x0  }
0xd3: {  	[sflag:s23] =	ssyncadd.s32 $0xFFFFE000  }
0xd4: {  	_ =	swait.ge [sflag:s23], $0x2000  }
0xd5: {  	[sflag:s23] =	ssyncset.done $0x0  }
0xd6: {  	[sflag:s23] =	ssyncadd.s32 $0xFFFFE000  }
0xd7: {  	_ =	swait.ge [sflag:s23], $0x2000  }
0xd8: {  	[sflag:s23] =	ssyncset.done $0x0  }
0xd9: {  	[sflag:s23] =	ssyncadd.s32 $0xFFFFE000  }
0xda: {  	_ =	swait.ge [sflag:s23], $0x2000  }
0xdb: {  	s30 =	sadd.s32 $0x1400, s30;
	s11 =	rddreg [dreg:$0x8];
	[sflag:s23] =	ssyncset.done $0x0  }
0xdc: {  	s13 =	rddreg [dreg:$0xc];
	[sflag:s23] =	ssyncadd.s32 $0xFFFFE000;
	s0 =	sadd.s32 s28, s11  }
0xdd: {  	[hbm4b:s0+s3] =	stream.linear.scatter [tilespmem:s17], [sflag:$0x4], $0x2000, $0x38;
	[tilespmem:$0x15900] =	vst v63  }
0xde: {  	p1 =	sne.s32 s30, $0x6400;
	s15 =	rddreg [dreg:$0xb];
	s11 =	sadd.s32 s28, s13  }
0xdf: {  	[hbm4b:s11+s3] =	stream.linear.scatter [tilespmem:s18], [sflag:$0x4], $0x2000, $0x38;
	[tilespmem:$0x15900] =	vst v63  }
.Ltmp0:
0xe0: {  	s31 =	rddreg [dreg:$0xa];
	(pc) =	sbr.rel @p1 .LBB2_2-.Ltmp0, $4  }
0xe1: {  	s13 =	sadd.s32 s28, s15;
	s15 =	rddreg [dreg:$0x9]  }
0xe2: {  	[hbm4b:s13+s3] =	stream.linear.scatter [tilespmem:s19], [sflag:$0x4], $0x2000, $0x38;
	[tilespmem:$0x15900] =	vst v63  }
0xe3: {  	s31 =	sadd.s32 s28, s31;
	s1 =	sadd.s32 s28, s15;
	s28 =	sadd.s32 $0x2800, s28  }
0xe4: {  	[hbm4b:s31+s3] =	stream.linear.scatter [tilespmem:s20], [sflag:$0x4], $0x2000, $0x38;
	[tilespmem:$0x15900] =	vst v63  }
0xe5: {  	s0 =	simm.s32 @!p0 $0x4  }
0xe6: {  	[hbm4b:s1+s3] =	stream.linear.scatter [tilespmem:s21], [sflag:$0x4], $0x2000, $0x38;
	[tilespmem:$0x15900] =	vst v63  }
0xe7: {  	_ =	swait.ge @!p0 [sflag:s0], $0x2000  }
0xe8: {  	[sflag:s0] =	ssyncset.done @!p0 $0x0  }
0xe9: {  	[sflag:s0] =	ssyncadd.s32 @!p0 $0xFFFFE000  }
0xea: {  	_ =	swait.ge @!p0 [sflag:s0], $0x2000  }
0xeb: {  	[sflag:s0] =	ssyncset.done @!p0 $0x0  }
0xec: {  	[sflag:s0] =	ssyncadd.s32 @!p0 $0xFFFFE000  }
0xed: {  	_ =	swait.ge @!p0 [sflag:s0], $0x2000  }
0xee: {  	[sflag:s0] =	ssyncset.done @!p0 $0x0  }
0xef: {  	[sflag:s0] =	ssyncadd.s32 @!p0 $0xFFFFE000  }
0xf0: {  	_ =	swait.ge @!p0 [sflag:s0], $0x2000  }
0xf1: {  	[sflag:s0] =	ssyncset.done @!p0 $0x0  }
0xf2: {  	[sflag:s0] =	ssyncadd.s32 @!p0 $0xFFFFE000  }
0xf3: {  	_ =	swait.ge @!p0 [sflag:s0], $0x2000  }
0xf4: {  	s11 =	sshra.s32 s29, $0x2;
	[sflag:s0] =	ssyncset.done @!p0 $0x0  }
0xf5: {  	s13 =	sadd.s32 $0x280, s11;
	[sflag:s0] =	ssyncadd.s32 @!p0 $0xFFFFE000  }
0xf6: {  	[tilespmem:s17], [sflag:$0x2] =	stream.indirect.gather [hbm4b:s4+s8], $0x40, s13, s8, $0xb8;
	[tilespmem:$0x15900] =	vst v63  }
0xf7: {  	s15 =	sadd.s32 $0x300, s11  }
0xf8: {  	[tilespmem:s18], [sflag:$0x2] =	stream.indirect.gather [hbm4b:s4+s8], $0x40, s15, s8, $0xb8;
	[tilespmem:$0x15900] =	vst v63  }
0xf9: {  	s30 =	sadd.s32 $0x380, s11  }
0xfa: {  	[tilespmem:s19], [sflag:$0x2] =	stream.indirect.gather [hbm4b:s4+s8], $0x40, s30, s8, $0xb8;
	[tilespmem:$0x15900] =	vst v63  }
0xfb: {  	s31 =	sadd.s32 $0x400, s11  }
0xfc: {  	[tilespmem:s20], [sflag:$0x2] =	stream.indirect.gather [hbm4b:s4+s8], $0x40, s31, s8, $0xb8;
	[tilespmem:$0x15900] =	vst v63  }
0xfd: {  	s5 =	sadd.s32 $0x480, s11  }
0xfe: {  	[tilespmem:s21], [sflag:$0x2] =	stream.indirect.gather [hbm4b:s4+s8], $0x40, s5, s8, $0xb8;
	[tilespmem:$0x15900] =	vst v63  }
0xff: {  	_ =	swait.ge [sflag:s22], $0x2000  }
0x100: {  	[sflag:s22] =	ssyncset.done $0x0  }
0x101: {  	[sflag:s22] =	ssyncadd.s32 $0xFFFFE000  }
0x102: {  	_ =	swait.ge [sflag:s22], $0x2000  }
0x103: {  	[sflag:s22] =	ssyncset.done $0x0  }
0x104: {  	[sflag:s22] =	ssyncadd.s32 $0xFFFFE000  }
0x105: {  	_ =	swait.ge [sflag:s22], $0x2000  }
0x106: {  	[sflag:s22] =	ssyncset.done $0x0  }
0x107: {  	[sflag:s22] =	ssyncadd.s32 $0xFFFFE000  }
0x108: {  	_ =	swait.ge [sflag:s22], $0x2000  }
0x109: {  	[sflag:s22] =	ssyncset.done $0x0  }
0x10a: {  	[sflag:s22] =	ssyncadd.s32 $0xFFFFE000  }
0x10b: {  	_ =	swait.ge [sflag:s22], $0x2000  }
0x10c: {  	s6 =	rddreg [dreg:$0x7];
	[sflag:s22] =	ssyncset.done $0x0  }
0x10d: {  	s11 =	rddreg [dreg:$0x6];
	[sflag:s22] =	ssyncadd.s32 $0xFFFFE000;
	s0 =	sadd.s32 s28, s6  }
0x10e: {  	[hbm4b:s0+s3] =	stream.linear.scatter [tilespmem:s9], [sflag:$0x3], $0x2000, $0x38;
	[tilespmem:$0x15900] =	vst v63  }
0x10f: {  	s5 =	rddreg [dreg:$0x5];
	s13 =	sadd.s32 s28, s11  }
0x110: {  	[hbm4b:s13+s3] =	stream.linear.scatter [tilespmem:s10], [sflag:$0x3], $0x2000, $0x38;
	[tilespmem:$0x15900] =	vst v63  }
0x111: {  	s15 =	rddreg [dreg:$0x4];
	s30 =	sadd.s32 s28, s5  }
0x112: {  	[hbm4b:s30+s3] =	stream.linear.scatter [tilespmem:s12], [sflag:$0x3], $0x2000, $0x38;
	[tilespmem:$0x15900] =	vst v63  }
0x113: {  	p0 =	seq.s32 s29, $0x5000;
	s31 =	rddreg [dreg:$0x3];
	s1 =	sadd.s32 s28, s15  }
0x114: {  	[hbm4b:s1+s3] =	stream.linear.scatter [tilespmem:s14], [sflag:$0x3], $0x2000, $0x38;
	[tilespmem:$0x15900] =	vst v63  }
0x115: {  	s6 =	sadd.s32 s28, s31;
	s0 =	simm.s32 @!p0 $0x3  }
0x116: {  	[hbm4b:s6+s3] =	stream.linear.scatter [tilespmem:s16], [sflag:$0x3], $0x2000, $0x38;
	[tilespmem:$0x15900] =	vst v63  }
0x117: {  	_ =	swait.ge @!p0 [sflag:s0], $0x2000  }
0x118: {  	[sflag:s0] =	ssyncset.done @!p0 $0x0  }
0x119: {  	[sflag:s0] =	ssyncadd.s32 @!p0 $0xFFFFE000  }
0x11a: {  	_ =	swait.ge @!p0 [sflag:s0], $0x2000  }
0x11b: {  	[sflag:s0] =	ssyncset.done @!p0 $0x0  }
0x11c: {  	[sflag:s0] =	ssyncadd.s32 @!p0 $0xFFFFE000  }
0x11d: {  	_ =	swait.ge @!p0 [sflag:s0], $0x2000  }
0x11e: {  	[sflag:s0] =	ssyncset.done @!p0 $0x0  }
0x11f: {  	[sflag:s0] =	ssyncadd.s32 @!p0 $0xFFFFE000  }
0x120: {  	_ =	swait.ge @!p0 [sflag:s0], $0x2000  }
0x121: {  	[sflag:s0] =	ssyncset.done @!p0 $0x0  }
0x122: {  	[sflag:s0] =	ssyncadd.s32 @!p0 $0xFFFFE000  }
0x123: {  	s1 =	sshra.s32 @!p0 s29, $0x2;
	_ =	swait.ge @!p0 [sflag:s0], $0x2000  }
0x124: {  	s5 =	sadd.s32 @!p0 $0x500, s1;
	[sflag:s0] =	ssyncset.done @!p0 $0x0  }
0x125: {  	s6 =	simm.s32 @!p0 $0x80;
	[sflag:s0] =	ssyncadd.s32 @!p0 $0xFFFFE000;
	s0 =	simm.s32 @!p0 $0x1900  }
0x126: {  	[tilespmem:s0], [sflag:$0x1] =	stream.indirect.gather @!p0 [hbm4b:s4+s6], $0x40, s5, s6, $0xb8;
	[tilespmem:$0x15900] =	vst v63  }
0x127: {  	s0 =	sadd.s32 @!p0 $0x580, s1;
	s5 =	simm.s32 @!p0 $0x3900  }
0x128: {  	[tilespmem:s5], [sflag:$0x1] =	stream.indirect.gather @!p0 [hbm4b:s4+s6], $0x40, s0, s6, $0xb8;
	[tilespmem:$0x15900] =	vst v63  }
0x129: {  	s0 =	sadd.s32 @!p0 $0x600, s1;
	s5 =	simm.s32 @!p0 $0x5900  }
0x12a: {  	[tilespmem:s5], [sflag:$0x1] =	stream.indirect.gather @!p0 [hbm4b:s4+s6], $0x40, s0, s6, $0xb8;
	[tilespmem:$0x15900] =	vst v63  }
0x12b: {  	s0 =	sadd.s32 @!p0 $0x680, s1;
	s5 =	simm.s32 @!p0 $0x7900  }
0x12c: {  	[tilespmem:s5], [sflag:$0x1] =	stream.indirect.gather @!p0 [hbm4b:s4+s6], $0x40, s0, s6, $0xb8;
	[tilespmem:$0x15900] =	vst v63  }
0x12d: {  	s0 =	sadd.s32 @!p0 $0x700, s1;
	s1 =	simm.s32 @!p0 $0x9900  }
0x12e: {  	[tilespmem:s1], [sflag:$0x1] =	stream.indirect.gather @!p0 [hbm4b:s4+s6], $0x40, s0, s6, $0xb8;
	[tilespmem:$0x15900] =	vst v63  }
0x12f: {  	_ =	swait.ge [sflag:s23], $0x2000  }
0x130: {  	[sflag:s23] =	ssyncset.done $0x0  }
0x131: {  	[sflag:s23] =	ssyncadd.s32 $0xFFFFE000  }
0x132: {  	_ =	swait.ge [sflag:s23], $0x2000  }
0x133: {  	[sflag:s23] =	ssyncset.done $0x0  }
0x134: {  	[sflag:s23] =	ssyncadd.s32 $0xFFFFE000  }
0x135: {  	_ =	swait.ge [sflag:s23], $0x2000  }
0x136: {  	[sflag:s23] =	ssyncset.done $0x0  }
0x137: {  	[sflag:s23] =	ssyncadd.s32 $0xFFFFE000  }
0x138: {  	_ =	swait.ge [sflag:s23], $0x2000  }
0x139: {  	[sflag:s23] =	ssyncset.done $0x0  }
0x13a: {  	[sflag:s23] =	ssyncadd.s32 $0xFFFFE000  }
0x13b: {  	_ =	swait.ge [sflag:s23], $0x2000  }
0x13c: {  	s11 =	rddreg [dreg:$0x8];
	[sflag:s23] =	ssyncset.done $0x0  }
0x13d: {  	s13 =	rddreg [dreg:$0xc];
	[sflag:s23] =	ssyncadd.s32 $0xFFFFE000;
	s0 =	sadd.s32 s28, s11  }
0x13e: {  	[hbm4b:s0+s3] =	stream.linear.scatter [tilespmem:s17], [sflag:$0x4], $0x2000, $0x38;
	[tilespmem:$0x15900] =	vst v63  }
0x13f: {  	s15 =	rddreg [dreg:$0xb];
	s1 =	sadd.s32 s28, s13  }
0x140: {  	[hbm4b:s1+s3] =	stream.linear.scatter [tilespmem:s18], [sflag:$0x4], $0x2000, $0x38;
	[tilespmem:$0x15900] =	vst v63  }
0x141: {  	s29 =	rddreg [dreg:$0xa];
	s0 =	sadd.s32 s28, s15  }
0x142: {  	[hbm4b:s0+s3] =	stream.linear.scatter [tilespmem:s19], [sflag:$0x4], $0x2000, $0x38;
	[tilespmem:$0x15900] =	vst v63  }
0x143: {  	s30 =	rddreg [dreg:$0x9];
	s1 =	sadd.s32 s28, s29  }
0x144: {  	[hbm4b:s1+s3] =	stream.linear.scatter [tilespmem:s20], [sflag:$0x4], $0x2000, $0x38;
	[tilespmem:$0x15900] =	vst v63  }
0x145: {  	s0 =	sadd.s32 s28, s30  }
0x146: {  	[hbm4b:s0+s3] =	stream.linear.scatter [tilespmem:s21], [sflag:$0x4], $0x2000, $0x38;
	[tilespmem:$0x15900] =	vst v63  }
0x147: {  	_ =	swait.ge [sflag:s24], $0x2000  }
0x148: {  	[sflag:s24] =	ssyncset.done $0x0  }
0x149: {  	[sflag:s24] =	ssyncadd.s32 $0xFFFFE000  }
0x14a: {  	_ =	swait.ge [sflag:s24], $0x2000  }
0x14b: {  	[sflag:s24] =	ssyncset.done $0x0  }
0x14c: {  	[sflag:s24] =	ssyncadd.s32 $0xFFFFE000  }
0x14d: {  	_ =	swait.ge [sflag:s24], $0x2000  }
0x14e: {  	[sflag:s24] =	ssyncset.done $0x0  }
0x14f: {  	[sflag:s24] =	ssyncadd.s32 $0xFFFFE000  }
0x150: {  	_ =	swait.ge [sflag:s24], $0x2000  }
0x151: {  	[sflag:s24] =	ssyncset.done $0x0  }
0x152: {  	[sflag:s24] =	ssyncadd.s32 $0xFFFFE000  }
0x153: {  	_ =	swait.ge [sflag:s24], $0x2000  }
0x154: {  	[sflag:s24] =	ssyncset.done $0x0  }
0x155: {  	[sflag:s24] =	ssyncadd.s32 $0xFFFFE000  }
0x156: {  	_ =	swait.ge [sflag:s25], $0x2000  }
0x157: {  	[sflag:s25] =	ssyncset.done $0x0  }
0x158: {  	[sflag:s25] =	ssyncadd.s32 $0xFFFFE000  }
0x159: {  	_ =	swait.ge [sflag:s25], $0x2000  }
0x15a: {  	[sflag:s25] =	ssyncset.done $0x0  }
0x15b: {  	[sflag:s25] =	ssyncadd.s32 $0xFFFFE000  }
0x15c: {  	_ =	swait.ge [sflag:s25], $0x2000  }
0x15d: {  	[sflag:s25] =	ssyncset.done $0x0  }
0x15e: {  	[sflag:s25] =	ssyncadd.s32 $0xFFFFE000  }
0x15f: {  	_ =	swait.ge [sflag:s25], $0x2000  }
0x160: {  	[sflag:s25] =	ssyncset.done $0x0  }
0x161: {  	[sflag:s25] =	ssyncadd.s32 $0xFFFFE000  }
0x162: {  	_ =	swait.ge [sflag:s25], $0x2000  }
0x163: {  	s26 =	sadd.s32 $0x1, s26;
	s31 =	rddreg [dreg:$0xe]  }
0x164: {  	p0 =	sne.s32 s26, s31  }
.Ltmp1:
0x165: {  	_ = 	snop;
	(pc) =	sbr.rel @p0 .LBB2_1-.Ltmp1, $3  }
0x166: {  	_ =	sdelay $0x1  }
0x167: {  	[sflag:s25] =	ssyncset.done $0x0  }
0x168: {  	[sflag:s25] =	ssyncadd.s32 $0xFFFFE000  }
0x169: {  	_ =	sfence.sel $0x180000  }
0x16a: {  	[bflag:$0x0] =	sbarrier.arrive $0xFFFF  }
0x16b: {  	_ =	strace $0x90000047  }
0x16c: {  	s0 =	stileid.u32;
	[bflag:$0x2] =	sbarrier.arrive $0xFFFF  }
0x16d: {  	p0 =	sne.s32 s0, $0x0;
	s0 =	rddreg [dreg:$0x2]  }
0x16e: {  	s0 =	sadd.s32 @!p0 $0x100000, s0  }
0x16f: {  	[sflag:s0] =	ssyncadd.tile.s32 @!p0 $0x1;
	_ =	shalt  }
.Lfunc_end2:
_tile_overlayer_lowered:
.L_overlay_start_2:
0x170: {  	(tag) =	ssettag $0x2  }
0x171: {  	s0 =	rddreg [dreg:$0x0];
	s2 =	stileid.u32  }
0x172: {  	s1 =	rddreg [dreg:$0x1];
	p0 =	sne.s32 s2, $0x0  }
0x173: {  	s3 =	rddreg [dreg:$0x2];
	[bflag:$0x3] =	sbarrier.arrive $0xFFFF;
	s2 =	simm.s32 @!p0 $0x1C05  }
0x174: {  	[timem:s3], [sflag:s2] =	dma.local @!p0 [hbm:s0], s1  }
0x175: {  	s0 =	simm.s32 @!p0 $0x5  }
0x176: {  	_ =	swait.ge @!p0 [sflag:s0], s1  }
0x177: {  	s1 =	ssub.s32 @!p0 $0x0, s1;
	[sflag:s0] =	ssyncset.done @!p0 $0x0  }
0x178: {  	[sflag:s0] =	ssyncadd.s32 @!p0 s1  }
0x179: {  	[bflag:$0x3] =	sbarrier.arrive $0xFFFF  }
0x17a: {  	_ =	shalt  }

// kernel: sparse-core-data-format-call.cloned.1.call-start
scs
called_computation_lowered:
.L_overlay_start_0:
0x0: {  	s2 =	sld [smem:$0x3FD9]  }
0x1: {  	s3 =	sld [smem:$0x3FFE];
	_ =	sdelay $0x1  }
0x2: {  	s1 =	srdreg.scid  }
0x3: {  	s0 =	sand.u32 $0x1, s1  }
0x4: {  	s18 =	sshll.u32 s0, $0xA;
	s2 =	sadd.s32 s3, s2  }
0x5: {  	s2 =	sadd.s32 s2, s18  }
0x6: {  	[smem:$0x3FC6] =	sst s2  }
0x7: {  	_ = 	snop  }
0x8: {  	s2 =	sld [smem:$0x3FD0];
	(tm) =	ssettm $0x1  }
0x9: {  	s19 =	sld [smem:$0x3FFB];
	_ =	sdelay $0x3  }
0xa: {  	_ =	strace s19  }
0xb: {  	s3 =	sld [smem:$0x3FFC];
	_ =	sdelay $0x3  }
0xc: {  	_ =	strace s3  }
0xd: {  	s3 =	sld [smem:$0x3FFD];
	_ =	sdelay $0x3  }
0xe: {  	_ =	strace s3  }
0xf: {  	_ =	strace $0x8FFFFFFF  }
0x10: {  	s20 =	sld [smem:$0x3FDB];
	_ =	sdelay $0x1  }
0x11: {  	s4 =	simm.s32 $_scs_section_size  }
0x12: {  	s5 =	simm.s32 $_size__tile_overlayer_lowered;
	s6 =	simm.s32 $_tile_overlayer_lowered  }
0x13: {  	s23 =	simm.s32 $0x1BFF;
	s22 =	sshll.u32 s6, $0x1;
	s3 =	sadd.s32 s4, s20  }
0x14: {  	s7 =	simm.s32 $0x0;
	s21 =	sshll.u32 s5, $0x1;
	s5 =	sadd.s32 s22, s3  }
0x15: {  	[timem:s7], [sflag:s23] =	dma.local [hbm:s5], s21  }
0x16: {  	_ =	swait.ge [sflag:s23], s21  }
0x17: {  	s4 =	ssub.s32 $0x0, s21;
	[sflag:s23] =	ssyncset.done $0x0  }
0x18: {  	[sflag:s23] =	ssyncadd.s32 s4;
	_ =	sdelay $0x1  }
0x19: {  	s24 =	simm.s32 $0x1B8B  }
0x1a: {  	_ =	swait.ge [sflag:s24], $0x1  }
0x1b: {  	[sflag:s24] =	ssyncset.done $0x0  }
0x1c: {  	s26 =	simm.s32 $0x1B8E;
	s25 =	sld [smem:$0x3FFE];
	[sflag:s24] =	ssyncadd.s32 $0xFFFFFFFF  }
0x1d: {  	s27 =	simm.s32 $execute0_lowered;
	[smem:$0x3FD2] =	sst s26  }
0x1e: {  	s5 =	sshll.u32 s27, $0x1;
	_ =	strace $0x80000049;
	[dreg:$0x1] =	wrdreg $0xFFFFFFFF  }
0x1f: {  	s28 =	simm.s32 $_size_execute0_lowered;
	s3 =	sadd.s32 s3, s5;
	[dreg:$0x0] =	wrdreg $0x0  }
0x20: {  	s5 =	sshll.u32 s28, $0x1;
	[dreg:$0x2] =	wrdreg s3  }
0x21: {  	[dreg:$0x3] =	wrdreg s5  }
0x22: {  	[dreg:$0x4] =	wrdreg $0xC0  }
0x23: {  	_ =	task [dreg:s7], $0x5FFFF  }
0x24: {  	[dreg:$0x1] =	wrdreg $0xFFFFFFFF  }
0x25: {  	[dreg:$0x0] =	wrdreg $0x60  }
0x26: {  	[dreg:$0x2] =	wrdreg s25  }
0x27: {  	[dreg:$0x3] =	wrdreg s2  }
0x28: {  	[dreg:$0x4] =	wrdreg $0x9  }
0x29: {  	_ =	task.clear_ibuf [dreg:s7], $0x5FFFF;
	_ =	strace $0x90000049  }
0x2a: {  	s29 =	simm.s32 $0x9;
	_ =	strace $0x8000004B  }
0x2b: {  	_ =	swait.ge [sflag:s29], $0x1  }
0x2c: {  	[sflag:s29] =	ssyncadd.s32 $0xFFFFFFFF  }
0x2d: {  	_ =	strace $0x9000004B  }
0x2e: {  	_ =	sfence  }
0x2f: {  	s30 =	sld [smem:$0x0];
	_ =	sdelay $0x2  }
0x30: {  	s31 =	sshll.u32 s1, $0xD;
	s1 =	sshrl.u32 s1, $0x2  }
0x31: {  	s3 =	sand.u32 $0x4000, s31;
	s1 =	sadd.s32 s1, s30  }
0x32: {  	s0 =	sor.u32 s3, s0;
	s1 =	sshll.u32 s1, $0x11  }
0x33: {  	s0 =	sor.u32 s1, s0  }
0x34: {  	s0 =	sadd.s32 $0x8F2B, s0  }
0x35: {  	[sflag:s0] =	ssyncadd.remote.s32 $0x1  }
0x36: {  	_ =	sfence.sel $0xFFFF  }
0x37: {  	[dreg:$0x0] =	wrdreg $0xFFFFFFFF;
	(pc) =	sbr.abs _section_cstart, $3  }
0x38: {  	[dreg:$0x1] =	wrdreg $0xFFFFFFFF  }
0x39: {  	_ =	task.clear_ibuf [dreg:s7], $0x2FFFF;
	_ =	strace $0x9FFFFFFF  }
0x3a: {  	(tm) =	ssettm $0x7FFFFFFF  }
0x3b: {  	_ =	shalt  }
tec
execute0_lowered:
.L_overlay_start_1:
0x0: {  	(tag) =	ssettag $0x1  }
0x1: {  	s0 =	srdreg.scid  }
0x2: {  	s1 =	sshll.u32 s0, $0x4  }
0x3: {  	s0 =	stileid.u32;
	s1 =	sand.u32 $0x10, s1  }
0x4: {  	s1 =	sor.u32 s0, s1  }
0x5: {  	s6 =	rddreg [dreg:$0x0];
	s4 =	simm.s32 $0x1;
	s2 =	sshll.u32 s1, $0x7  }
0x6: {  	s7 =	simm.s32 $0x2;
	s12 =	simm.s32 $0x0;
	s1 =	ssub.s32 $0x1000, s2  }
0x7: {  	s8 =	simm.s32 $0x8000;
	s13 =	simm.s32 $0x0;
	s3 =	sand.u32 $0xF80, s1  }
0x8: {  	s9 =	simm.s32 $0x0;
	s5 =	sshrl.u32 s1, $0xC;
	p0 =	sne.s32 s3, $0x0  }
.Ltmp0:
0x9: {  	s1 =	rddreg [dreg:$0x2];
	s4 =	simm.s32 @!p0 $0x0;
	(pc) =	sbr.rel .LBB1_1-.Ltmp0, $4  }
0xa: {  	s11 =	simm.s32 $0x0;
	s3 =	rddreg [dreg:$0x1];
	s5 =	sadd.s32 s4, s5  }
0xb: {  	_ =	strace $0x8000004A;
	s4 =	simm.s32 $0x1;
	s5 =	smul.u32 $0x32, s5  }
0xc: {  	s6 =	sadd.s32 $0x800, s6;
	s10 =	smov.u32 s2;
	[sflag:s4] =	ssyncpa.u1 $0x0  }
0xd: {  	p0 =	por $0x0, $0x0;
	[sflag:s7] =	ssyncpa.u1 $0x0;
	s7 =	sor.u32 $0x1, s5  }
.LBB1_4:
0xe: {  	s16 =	sshll.u32 s13, $0x3;
	s17 =	sand.u32 $0x78, s13  }
0xf: {  	s30 =	sand.u32 $0x7E00, s13;
	s12 =	sshll.u32 s12, $0xF;
	s16 =	sand.u32 $0xC00, s16  }
0x10: {  	[tilespmem:s15+$0x810 ss:$0x81] =	vst.msk $0xffff, v2;
	s31 =	sand.u32 $0x7, s13;
	s16 =	sor.u32 s17, s16;
	s17 =	sadd.s32 s3, s30  }
0x11: {  	[tilespmem:s15+$0x1020 ss:$0x81] =	vst.msk $0xffff, v0;
	s13 =	sshll.u32 s31, $0x12;
	s12 =	sadd.s32 s12, s17;
	s16 =	sshrl.u32 s16, $0x3  }
0x12: {  	[tilespmem:s15+$0x0 ss:$0x81] =	vst.msk $0xffff, v1;
	s13 =	sor.u32 $0x400, s13;
	s12 =	sadd.s32 s16, s12  }
0x13: {  	[hbm4b:s12+s13] =	stream.strided.scatter [tilespmem:s14], [sflag:$0x2], $0x2000, s8, s13, $0x20;
	[tilespmem:$0x8080] =	vst v63  }
.LBB1_5:
0x14: {  	s14 =	sadd.s32 $0x1, s9  }
0x15: {  	s12 =	sadd.s32 $0x1000, s10;
	s16 =	smov.u32 s10;
	p2 =	sgt.s32 s14, $0x31  }
0x16: {  	s16 =	smov.u32 @p2 s12  }
0x17: {  	s14 =	simm.s32 @p2 $0x0;
	p2 =	sgt.s32 s16, $0xFFF  }
0x18: {  	s16 =	smov.u32 @p2 s2;
	p2 =	sne.s32 s11, s7  }
.Ltmp1:
0x19: {  	p1 =	slt.u32 s11, $0x2;
	(pc) =	sbr.rel @!p2 .LBB1_6-.Ltmp1, $4  }
0x1a: {  	s15 =	simm.s32 @!p1 $0x2  }
0x1b: {  	s13 =	smov.u32 s10;
	p0 =	por !p0, !p0;
	_ =	swait.ge @!p1 [sflag:s15], $0x2000  }
0x1c: {  	s12 =	smov.u32 s9;
	[sflag:s15] =	ssyncset.done @!p1 $0x0;
	s9 =	smov.u32 s14  }
0x1d: {  	s11 =	sadd.s32 $0x1, s11;
	[sflag:s15] =	ssyncadd.s32 @!p1 $0xFFFFE000;
	s10 =	smov.u32 s16  }
.LBB1_1:
0x1e: {  	p1 =	sge.u32 s11, s5  }
0x1f: {  	s14 =	sand.u32 @!p1 $0x1FFFFFF, s9  }
0x20: {  	s15 =	smulhi.u32 @!p1 $0x4924925, s14;
	_ =	sdelay $0x1  }
0x21: {  	s15 =	smul.u32 @!p1 $0x38, s15  }
0x22: {  	s16 =	sxor.u32 @!p1 $0xFFFFFFFF, s11;
	s17 =	smul.u32 @!p1 $0x380, s10  }
0x23: {  	s31 =	sadd.s32 $0xFFFFFFFF, s11;
	s16 =	sshll.u32 @!p1 s16, $0xD;
	s14 =	ssub.s32 @!p1 s14, s15  }
0x24: {  	s15 =	sand.u32 @!p1 $0x2000, s16;
	s16 =	sadd.s32 @!p1 s6, s17;
	s14 =	sshll.u32 @!p1 s14, $0x4  }
0x25: {  	s17 =	simm.s32 @!p1 $0x1C00;
	s14 =	sadd.s32 @!p1 s14, s16;
	s16 =	simm.s32 @!p1 $0x40  }
0x26: {  	[tilespmem:s15], [sflag:$0x1] =	stream.strided.gather @!p1 [hbm4b:s14+s16], $0x2000, s17, s16, $0x38;
	[tilespmem:$0x8080] =	vst v63  }
0x27: {  	p1 =	sge.u32 s31, s5  }
.Ltmp2:
0x28: {  	_ = 	snop;
	(pc) =	sbr.rel @p1 .LBB1_5-.Ltmp2, $1  }
0x29: {  	_ =	sdelay $0x3  }
0x2a: {  	s14 =	simm.s32 $0x1  }
0x2b: {  	_ =	swait.ge [sflag:s4], $0x2000;
	s14 =	simm.s32 @!p0 $0x0  }
0x2c: {  	[sflag:s4] =	ssyncset.done $0x0;
	s15 =	sshll.u32 s14, $0xD  }
0x2d: {  	[sflag:s4] =	ssyncadd.s32 $0xFFFFE000;
	s18 =	sor.u32 $0x20, s15  }
0x2e: {  	s14 =	smul.u32 $0x8100, s14;
	v3 =	vld [tilespmem:s18+$0x10]  }
0x2f: {  	s30 =	sand.u32 $0x1, s11;
	v2 =	vld [tilespmem:s18+$0xFFFFFFF0]  }
0x30: {  	s15 =	smul.u32 $0x8100, s30;
	s14 =	sshrl.u32 s14, $0x2;
	v0 =	vld [tilespmem:s18+$0x0]  }
0x31: {  	v1 =	vld [tilespmem:s18+$0xFFFFFFE0];
	s16 =	sor.u32 $0x4000, s14  }
0x32: {  	s31 =	sshrl.u32 s15, $0x2;
	s15 =	sadd.s32 $0x0, s16  }
0x33: {  	s17 =	simm.s32 $0x4;
	s18 =	sadd.s32 $0x40, s18;
	s14 =	sor.u32 $0x4000, s31;
	[tilespmem:s15+$0x1830 ss:$0x81] =	vst.msk $0xffff, v3  }
.LBB1_3:
0x34: {  	v3 =	vld [tilespmem:s18+$0x10];
	p1 =	sne.s32 s17, $0x1FC;
	[tilespmem:s15+$0x810 ss:$0x81] =	vst.msk $0xffff, v2;
	s19 =	smov.u32 s17;
	s17 =	sadd.s32 $0x4, s17  }
.Ltmp3:
0x35: {  	v2 =	vld [tilespmem:s18+$0xFFFFFFF0];
	[tilespmem:s15+$0x1020 ss:$0x81] =	vst.msk $0xffff, v0;
	(pc) =	sbr.rel @p1 .LBB1_3-.Ltmp3, $4  }
0x36: {  	v0 =	vld [tilespmem:s18+$0x0];
	[tilespmem:s15+$0x0 ss:$0x81] =	vst.msk $0xffff, v1  }
0x37: {  	s15 =	sshra.s32 s19, $0x2;
	v1 =	vld [tilespmem:s18+$0xFFFFFFE0]  }
0x38: {  	s15 =	sadd.s32 s15, s16  }
0x39: {  	s18 =	sadd.s32 $0x40, s18;
	[tilespmem:s15+$0x1830 ss:$0x81] =	vst.msk $0xffff, v3  }
.Ltmp4:
0x3a: {  	_ = 	snop;
	(pc) =	sbr.rel .LBB1_4-.Ltmp4, $1  }
0x3b: {  	_ =	sdelay $0x3  }
.LBB1_6:
0x3c: {  	_ =	sfence.sel $0x180000  }
0x3d: {  	s2 =	simm.s32 $0x1;
	[bflag:$0x0] =	sbarrier.arrive $0xFFFF  }
0x3e: {  	s31 =	simm.s32 $0x2;
	[sflag:s2] =	ssyncpa.u1 $0x1  }
0x3f: {  	[sflag:s31] =	ssyncpa.u1 $0x1  }
0x40: {  	p0 =	sne.s32 s0, $0x0;
	_ =	strace $0x9000004A  }
0x41: {  	s0 =	sadd.s32 @!p0 $0x100000, s1;
	[bflag:$0x2] =	sbarrier.arrive $0xFFFF  }
0x42: {  	[sflag:s0] =	ssyncadd.tile.s32 @!p0 $0x1;
	_ =	shalt  }
.Lfunc_end1:
_tile_overlayer_lowered:
.L_overlay_start_2:
0x43: {  	(tag) =	ssettag $0x2  }
0x44: {  	s0 =	rddreg [dreg:$0x0];
	s2 =	stileid.u32  }
0x45: {  	s1 =	rddreg [dreg:$0x1];
	p0 =	sne.s32 s2, $0x0  }
0x46: {  	s3 =	rddreg [dreg:$0x2];
	[bflag:$0x3] =	sbarrier.arrive $0xFFFF;
	s2 =	simm.s32 @!p0 $0x1C01  }
0x47: {  	[timem:s3], [sflag:s2] =	dma.local @!p0 [hbm:s0], s1  }
0x48: {  	s0 =	simm.s32 @!p0 $0x1  }
0x49: {  	_ =	swait.ge @!p0 [sflag:s0], s1  }
0x4a: {  	s1 =	ssub.s32 @!p0 $0x0, s1;
	[sflag:s0] =	ssyncset.done @!p0 $0x0  }
0x4b: {  	[sflag:s0] =	ssyncadd.s32 @!p0 s1  }
0x4c: {  	[bflag:$0x3] =	sbarrier.arrive $0xFFFF  }
0x4d: {  	_ =	shalt  }

</sc_bundles>
